<compile_context>
chip_gen: v7x
topology: tpu7x:2x2x1
jax: 0.10.2.dev20260603
libtpu: 0.0.44.dev20260713+nightly
codegen_flags: <defaults>
</compile_context>

<pallas_src>
import dataclasses
import functools

import jax
import jax.numpy as jnp
from jax import lax
from jax.experimental import pallas as pl
from jax.experimental.pallas import tpu as pltpu
from jax.experimental.pallas import tpu_sc as plsc

N = 10000
D = 128
NC = 2
NS = 16
NW = NC * NS
CHUNK = 128
G = 40
KPT = 80
H_ROWS = 10240
RPT = H_ROWS // NS
_mesh = plsc.VectorSubcoreMesh(core_axis_name="c", subcore_axis_name="s")

_cp_no_layout = pltpu.CompilerParams()
if "needs_layout_passes" in pltpu.CompilerParams.__dataclass_fields__:
    _cp_no_layout = dataclasses.replace(_cp_no_layout, needs_layout_passes=False)


def _sc_degree(rowr):
    K = rowr.shape[0] // NW

    @functools.partial(
        pl.kernel,
        out_type=jax.ShapeDtypeStruct((NC, H_ROWS), jnp.float32),
        mesh=_mesh,
        compiler_params=_cp_no_layout,
        scratch_types=[
            pltpu.VMEM((K, CHUNK), jnp.int32),
            pltpu.VMEM((H_ROWS,), jnp.float32),
            pltpu.VMEM((RPT,), jnp.float32),
            pltpu.VMEM((RPT,), jnp.float32),
            pltpu.VMEM_SHARED((NS, H_ROWS), jnp.float32),
        ],
    )
    def deg_kernel(rowr_hbm, deg_hbm, idx_v, deg_v, acc_v, tmp_v, sh):
        c = lax.axis_index("c")
        s = lax.axis_index("s")
        wid = s * NC + c

        @pl.loop(0, H_ROWS, step=16)
        def _(i):
            deg_v[pl.ds(i, 16)] = jnp.zeros((16,), jnp.float32)

        pltpu.sync_copy(rowr_hbm.at[pl.ds(wid * K, K)], idx_v)
        ones = jnp.ones((16,), jnp.float32)

        @pl.loop(0, K)
        def _(j):
            @pl.loop(0, CHUNK, step=16)
            def _(t):
                plsc.addupdate_scatter(deg_v, [idx_v[j, pl.ds(t, 16)]], ones)

        pltpu.sync_copy(deg_v, sh.at[s])
        plsc.subcore_barrier()

        pltpu.sync_copy(sh.at[0, pl.ds(s * RPT, RPT)], acc_v)

        @pl.loop(1, NS)
        def _(p):
            pltpu.sync_copy(sh.at[p, pl.ds(s * RPT, RPT)], tmp_v)

            @pl.loop(0, RPT, step=16)
            def _(i):
                acc_v[pl.ds(i, 16)] = acc_v[pl.ds(i, 16)] + tmp_v[pl.ds(i, 16)]

        pltpu.sync_copy(acc_v, deg_hbm.at[c, pl.ds(s * RPT, RPT)])

    return deg_kernel(rowr)


def _tc_prep(deg, x):
    BM = 2000

    def body(d0_ref, d1_ref, x_ref, y_ref):
        d = d0_ref[...] + d1_ref[...]
        dis = jnp.where(d > 0, lax.rsqrt(jnp.maximum(d, 1e-12)), 0.0)
        y_ref[...] = dis * x_ref[...]

    return pl.pallas_call(
        body,
        grid=(N // BM,),
        in_specs=[
            pl.BlockSpec((BM, 1), lambda i: (i, 0)),
            pl.BlockSpec((BM, 1), lambda i: (i, 0)),
            pl.BlockSpec((BM, D), lambda i: (i, 0)),
        ],
        out_specs=pl.BlockSpec((BM, D), lambda i: (i, 0)),
        out_shape=jax.ShapeDtypeStruct((N, D), jnp.float32),
    )(deg[0], deg[1], x)


def _sc_main(y, colr, rowr, zeros128):

    @functools.partial(
        pl.kernel,
        out_type=jax.ShapeDtypeStruct((NC, H_ROWS, D), jnp.float32),
        mesh=_mesh,
        scratch_types=[
            pltpu.VMEM((KPT, CHUNK), jnp.int32),
            pltpu.VMEM((KPT, CHUNK), jnp.int32),
            pltpu.VMEM((CHUNK, D), jnp.float32),
            pltpu.VMEM_SHARED((H_ROWS, D), jnp.float32),
        ],
    )
    def main_kernel(y_hbm, colr_hbm, rowr_hbm, zeros_hbm, h_hbm,
                    cidx, ridx, buf, h_sh):
        c = lax.axis_index("c")
        s = lax.axis_index("s")
        wid = s * NC + c

        pltpu.sync_copy(zeros_hbm.at[pl.ds(s * RPT, RPT)],
                        h_sh.at[pl.ds(s * RPT, RPT)])
        pltpu.sync_copy(colr_hbm.at[pl.ds(wid * KPT, KPT)], cidx)
        pltpu.sync_copy(rowr_hbm.at[pl.ds(wid * KPT, KPT)], ridx)
        plsc.subcore_barrier()

        @pl.loop(0, KPT)
        def _(j):
            pltpu.sync_copy(y_hbm.at[cidx.at[j]], buf)
            pltpu.sync_copy(buf, h_sh.at[ridx.at[j]], add=True)

        plsc.subcore_barrier()
        pltpu.sync_copy(h_sh.at[pl.ds(s * RPT, RPT)],
                        h_hbm.at[c, pl.ds(s * RPT, RPT)])

    return main_kernel(y, colr, rowr, zeros128)


def _tc_final(h, deg, W, b):
    BM = 1000

    def body(h0_ref, h1_ref, d0_ref, d1_ref, w_ref, b_ref, o_ref):
        d = d0_ref[...] + d1_ref[...]
        dis = jnp.where(d > 0, lax.rsqrt(jnp.maximum(d, 1e-12)), 0.0)
        hh = (h0_ref[...] + h1_ref[...]) * dis
        z = jnp.dot(hh, w_ref[...], preferred_element_type=jnp.float32)
        z = z + b_ref[...]
        o_ref[...] = jnp.where(z > 0, z, 0.2 * z)

    return pl.pallas_call(
        body,
        grid=(N // BM,),
        in_specs=[
            pl.BlockSpec((BM, D), lambda i: (i, 0)),
            pl.BlockSpec((BM, D), lambda i: (i, 0)),
            pl.BlockSpec((BM, 1), lambda i: (i, 0)),
            pl.BlockSpec((BM, 1), lambda i: (i, 0)),
            pl.BlockSpec((D, D), lambda i: (0, 0)),
            pl.BlockSpec((1, D), lambda i: (0, 0)),
        ],
        out_specs=pl.BlockSpec((BM, D), lambda i: (i, 0)),
        out_shape=jax.ShapeDtypeStruct((N, D), jnp.float32),
    )(h[0], h[1], deg[0], deg[1], W, b.reshape(1, D))


def kernel(x, edge_index, W, b):
    row = edge_index[0].astype(jnp.int32)
    col = edge_index[1].astype(jnp.int32)
    E = row.shape[0]
    KT = NW * KPT
    epad = KT * CHUNK
    assert E <= epad
    pad_idx = jnp.arange(epad - E, dtype=jnp.int32)
    pad_rows = N + pad_idx % (H_ROWS - N)
    pad_cols = (pad_idx * 37) % N
    row_p = jnp.concatenate([row, pad_rows]).reshape(KT, CHUNK)
    col_p = jnp.concatenate([col, pad_cols]).reshape(KT, CHUNK)
    zeros128 = jnp.zeros((H_ROWS, D), jnp.float32)

    deg = _sc_degree(row_p).reshape(NC, H_ROWS, 1)
    y = _tc_prep(deg, x)
    h = _sc_main(y, col_p, row_p, zeros128)
    return _tc_final(h, deg, W, b)

# --- scband reference (transcript-rebuilt; emitter-appended) ---
"""Pipeline reference for scband-hetero-gnn-78039555769129 (READ-ONLY COPY).

The authoritative reference and input builder live on the scoring server;
editing this copy changes nothing except your own understanding.
"""

import jax, jax.numpy as jnp
import numpy as np

N_NODES = 10000
N_EDGES = 320000
D_FEAT = 128


def setup_inputs(seed: int = 0) -> dict:
    key = jax.random.key(seed)
    k1, k2, k3, k4 = jax.random.split(key, 4)
    x = jax.random.normal(k1, (N_NODES, D_FEAT), dtype=jnp.float32)
    edge_index = jax.random.randint(k2, (2, N_EDGES), 0, N_NODES, dtype=jnp.int64)
    # Dense layer params (gcn_dense: units = d_feat, glorot-uniform-like init)
    limit = np.sqrt(6.0 / (D_FEAT + D_FEAT)).astype(np.float32)
    W = jax.random.uniform(k3, (D_FEAT, D_FEAT), minval=-limit, maxval=limit, dtype=jnp.float32)
    b = jnp.zeros((D_FEAT,), dtype=jnp.float32)
    return {"x": x, "edge_index": edge_index, "W": W, "b": b}


def reference(x, edge_index, W, b):
    # LightGCN.norm_adj: symmetric normalization D^{-1/2} A D^{-1/2}
    # edge_drop_rate = 0.0 (no dropout applied)
    N = x.shape[0]
    row = edge_index[0]
    col = edge_index[1]
    ones = jnp.ones((edge_index.shape[1],), dtype=jnp.float32)
    deg = jnp.zeros((N,), dtype=jnp.float32).at[row].add(ones)
    deg_inv_sqrt = jnp.where(deg > 0, jax.lax.rsqrt(jnp.maximum(deg, 1e-12)), 0.0)
    norm_w = deg_inv_sqrt[row] * deg_inv_sqrt[col]
    # h = normed_adj @ x  (sparse matmul: gather from col, scatter-add to row)
    msgs = norm_w[:, None] * jnp.take(x, col, axis=0)
    h = jax.ops.segment_sum(msgs, row, num_segments=N)
    # gcn_dense with leaky_relu (tf.nn.leaky_relu default alpha=0.2)
    h = jax.nn.leaky_relu(h @ W + b, negative_slope=0.2)
    return h

if __name__ == "__main__":
    import jax
    _d = setup_inputs()
    print(jax.jit(kernel)(*tuple(_d.values())))

</pallas_src>

<mosaic_0001>
#map = affine_map<(d0, d1) -> (0, 0)>
#map1 = affine_map<(d0, d1) -> (0, 0, 0)>
module attributes {stable_mosaic.version = 14 : i64} {
  func.func @main_kernel(%arg0: i32, %arg1: i32, %arg2: memref<10000x128xf32, #tpu.memory_space<hbm>>, %arg3: memref<2560x128xi32, #tpu.memory_space<hbm>>, %arg4: memref<2560x128xi32, #tpu.memory_space<hbm>>, %arg5: memref<10240x128xf32, #tpu.memory_space<hbm>>, %arg6: memref<2x10240x128xf32, #tpu.memory_space<hbm>>, %arg7: memref<80x128xi32, #tpu.memory_space<vmem>>, %arg8: memref<80x128xi32, #tpu.memory_space<vmem>>, %arg9: memref<128x128xf32, #tpu.memory_space<vmem>>, %arg10: memref<10240x128xf32, #tpu.memory_space<vmem_shared>>) attributes {dimension_semantics = [#tpu.dimension_semantics<core_parallel>, #tpu.dimension_semantics<subcore_parallel>], iteration_bounds = array<i64: 2, 16>, scalar_prefetch = 0 : i64, scratch_operands = 4 : i64, tpu.core_type = #tpu.core_type<sc_vector_subcore>, window_params = [{transform_indices = #map}, {transform_indices = #map}, {transform_indices = #map}, {transform_indices = #map}, {transform_indices = #map1}]} {
    %mul3A = arith.constant 2 : i32
    %mul3A_0 = arith.muli %arg1, %mul3A : i32
    %add3A = arith.addi %mul3A_0, %arg0 : i32
    %mul3A_1 = arith.constant 640 : i32
    %mul3A_2 = arith.muli %arg1, %mul3A_1 : i32
    %mul3A_3 = arith.constant 640 : i32
    %mul3A_4 = arith.muli %arg1, %mul3A_3 : i32
    "tpu.region"() ({
      %run_scoped3A = tpu.sem_alloc : memref<!tpu.dma_semaphore, #tpu.memory_space<semaphore_mem>>
      %dma_start3A = arith.constant 0 : i32
      %dma_start3A_18 = tpu.memref_slice %arg10[%mul3A_4, %dma_start3A] : memref<10240x128xf32, #tpu.memory_space<vmem_shared>> -> memref<640x128xf32, #tpu.memory_space<vmem_shared>>
      %dma_start3A_19 = arith.constant 0 : i32
      %dma_start3A_20 = tpu.memref_slice %arg5[%mul3A_2, %dma_start3A_19] : memref<10240x128xf32, #tpu.memory_space<hbm>> -> memref<640x128xf32, #tpu.memory_space<hbm>>
      tpu.enqueue_dma source(%dma_start3A_20 : memref<640x128xf32, #tpu.memory_space<hbm>>) target(%dma_start3A_18 : memref<640x128xf32, #tpu.memory_space<vmem_shared>>) target_semaphore(%run_scoped3A : memref<!tpu.dma_semaphore, #tpu.memory_space<semaphore_mem>>)
      %dma_wait3A = arith.constant 0 : i32
      %dma_wait3A_21 = tpu.memref_slice %arg10[%mul3A_4, %dma_wait3A] : memref<10240x128xf32, #tpu.memory_space<vmem_shared>> -> memref<640x128xf32, #tpu.memory_space<vmem_shared>>
      %dma_wait3A_22 = arith.constant 0 : i32
      %dma_wait3A_23 = tpu.memref_slice %arg5[%mul3A_2, %dma_wait3A_22] : memref<10240x128xf32, #tpu.memory_space<hbm>> -> memref<640x128xf32, #tpu.memory_space<hbm>>
      tpu.wait_dma2 semaphore(%run_scoped3A : memref<!tpu.dma_semaphore, #tpu.memory_space<semaphore_mem>>) src(%dma_wait3A_23 : memref<640x128xf32, #tpu.memory_space<hbm>>) dst(%dma_wait3A_21 : memref<640x128xf32, #tpu.memory_space<vmem_shared>>)
      tpu.yield
    }) : () -> ()
    %mul3A_5 = arith.constant 80 : i32
    %mul3A_6 = arith.muli %add3A, %mul3A_5 : i32
    "tpu.region"() ({
      %run_scoped3A = tpu.sem_alloc : memref<!tpu.dma_semaphore, #tpu.memory_space<semaphore_mem>>
      %dma_start3A = arith.constant 0 : i32
      %dma_start3A_18 = tpu.memref_slice %arg3[%mul3A_6, %dma_start3A] : memref<2560x128xi32, #tpu.memory_space<hbm>> -> memref<80x128xi32, #tpu.memory_space<hbm>>
      %dma_start3A_19 = arith.constant 0 : i32
      %dma_start3A_20 = tpu.memref_slice %arg3[%mul3A_6, %dma_start3A_19] : memref<2560x128xi32, #tpu.memory_space<hbm>> -> memref<80x128xi32, #tpu.memory_space<hbm>>
      tpu.enqueue_dma source(%dma_start3A_20 : memref<80x128xi32, #tpu.memory_space<hbm>>) target(%arg7 : memref<80x128xi32, #tpu.memory_space<vmem>>) target_semaphore(%run_scoped3A : memref<!tpu.dma_semaphore, #tpu.memory_space<semaphore_mem>>)
      %dma_wait3A = arith.constant 0 : i32
      %dma_wait3A_21 = tpu.memref_slice %arg3[%mul3A_6, %dma_wait3A] : memref<2560x128xi32, #tpu.memory_space<hbm>> -> memref<80x128xi32, #tpu.memory_space<hbm>>
      %dma_wait3A_22 = arith.constant 0 : i32
      %dma_wait3A_23 = tpu.memref_slice %arg3[%mul3A_6, %dma_wait3A_22] : memref<2560x128xi32, #tpu.memory_space<hbm>> -> memref<80x128xi32, #tpu.memory_space<hbm>>
      tpu.wait_dma2 semaphore(%run_scoped3A : memref<!tpu.dma_semaphore, #tpu.memory_space<semaphore_mem>>) src(%dma_wait3A_23 : memref<80x128xi32, #tpu.memory_space<hbm>>) dst(%arg7 : memref<80x128xi32, #tpu.memory_space<vmem>>)
      tpu.yield
    }) : () -> ()
    %mul3A_7 = arith.constant 80 : i32
    %mul3A_8 = arith.muli %add3A, %mul3A_7 : i32
    "tpu.region"() ({
      %run_scoped3A = tpu.sem_alloc : memref<!tpu.dma_semaphore, #tpu.memory_space<semaphore_mem>>
      %dma_start3A = arith.constant 0 : i32
      %dma_start3A_18 = tpu.memref_slice %arg4[%mul3A_8, %dma_start3A] : memref<2560x128xi32, #tpu.memory_space<hbm>> -> memref<80x128xi32, #tpu.memory_space<hbm>>
      %dma_start3A_19 = arith.constant 0 : i32
      %dma_start3A_20 = tpu.memref_slice %arg4[%mul3A_8, %dma_start3A_19] : memref<2560x128xi32, #tpu.memory_space<hbm>> -> memref<80x128xi32, #tpu.memory_space<hbm>>
      tpu.enqueue_dma source(%dma_start3A_20 : memref<80x128xi32, #tpu.memory_space<hbm>>) target(%arg8 : memref<80x128xi32, #tpu.memory_space<vmem>>) target_semaphore(%run_scoped3A : memref<!tpu.dma_semaphore, #tpu.memory_space<semaphore_mem>>)
      %dma_wait3A = arith.constant 0 : i32
      %dma_wait3A_21 = tpu.memref_slice %arg4[%mul3A_8, %dma_wait3A] : memref<2560x128xi32, #tpu.memory_space<hbm>> -> memref<80x128xi32, #tpu.memory_space<hbm>>
      %dma_wait3A_22 = arith.constant 0 : i32
      %dma_wait3A_23 = tpu.memref_slice %arg4[%mul3A_8, %dma_wait3A_22] : memref<2560x128xi32, #tpu.memory_space<hbm>> -> memref<80x128xi32, #tpu.memory_space<hbm>>
      tpu.wait_dma2 semaphore(%run_scoped3A : memref<!tpu.dma_semaphore, #tpu.memory_space<semaphore_mem>>) src(%dma_wait3A_23 : memref<80x128xi32, #tpu.memory_space<hbm>>) dst(%arg8 : memref<80x128xi32, #tpu.memory_space<vmem>>)
      tpu.yield
    }) : () -> ()
    %barrier3A = arith.constant 0 : index
    tpu.barrier barrier_id(%barrier3A)
    %scan3A = arith.constant 0 : i32
    %scan3A_9 = arith.constant 80 : i32
    %scan3A_10 = arith.addi %scan3A, %scan3A_9 : i32
    %scan3A_11 = arith.constant 1 : i32
    scf.for %scan3A_18 = %scan3A to %scan3A_10 step %scan3A_11  : i32 {
      %mul3A_19 = arith.constant 1 : i32
      %mul3A_20 = arith.muli %scan3A_18, %mul3A_19 : i32
      %add3A_21 = arith.constant 0 : i32
      %add3A_22 = arith.addi %add3A_21, %mul3A_20 : i32
      "tpu.region"() ({
        %run_scoped3A = tpu.sem_alloc : memref<!tpu.dma_semaphore, #tpu.memory_space<semaphore_mem>>
        %dma_start3A = arith.constant 0 : i32
        %dma_start3A_23 = tpu.memref_slice %arg7[%add3A_22, %dma_start3A] : memref<80x128xi32, #tpu.memory_space<vmem>> -> memref<1x128xi32, #tpu.memory_space<vmem>>
        %dma_start3A_24 = tpu.memref_squeeze %dma_start3A_23 : memref<1x128xi32, #tpu.memory_space<vmem>> -> memref<128xi32, #tpu.memory_space<vmem>>
        %dma_start3A_25 = arith.constant 0 : i32
        %dma_start3A_26 = arith.constant 0 : i32
        %dma_start3A_27 = tpu.memref_slice %arg2[%dma_start3A_25, %dma_start3A_26] : memref<10000x128xf32, #tpu.memory_space<hbm>> -> memref<10000x128xf32, #tpu.memory_space<hbm>>
        tpu.enqueue_indirect_dma source(%dma_start3A_27 : memref<10000x128xf32, #tpu.memory_space<hbm>>) target(%arg9 : memref<128x128xf32, #tpu.memory_space<vmem>>) offsets(%dma_start3A_24 : memref<128xi32, #tpu.memory_space<vmem>>) semaphore(%run_scoped3A : memref<!tpu.dma_semaphore, #tpu.memory_space<semaphore_mem>>)
        %dma_wait3A = arith.constant 0 : i32
        %dma_wait3A_28 = tpu.memref_slice %arg7[%add3A_22, %dma_wait3A] : memref<80x128xi32, #tpu.memory_space<vmem>> -> memref<1x128xi32, #tpu.memory_space<vmem>>
        %dma_wait3A_29 = tpu.memref_squeeze %dma_wait3A_28 : memref<1x128xi32, #tpu.memory_space<vmem>> -> memref<128xi32, #tpu.memory_space<vmem>>
        %dma_wait3A_30 = arith.constant 0 : i32
        %dma_wait3A_31 = arith.constant 0 : i32
        %dma_wait3A_32 = tpu.memref_slice %arg2[%dma_wait3A_30, %dma_wait3A_31] : memref<10000x128xf32, #tpu.memory_space<hbm>> -> memref<10000x128xf32, #tpu.memory_space<hbm>>
        tpu.wait_indirect_dma semaphore(%run_scoped3A : memref<!tpu.dma_semaphore, #tpu.memory_space<semaphore_mem>>) src(%dma_wait3A_32 : memref<10000x128xf32, #tpu.memory_space<hbm>>) dst(%arg9 : memref<128x128xf32, #tpu.memory_space<vmem>>)
        tpu.yield
      }) : () -> ()
      "tpu.region"() ({
        %run_scoped3A = tpu.sem_alloc : memref<!tpu.dma_semaphore, #tpu.memory_space<semaphore_mem>>
        %dma_start3A = arith.constant 0 : i32
        %dma_start3A_23 = tpu.memref_slice %arg8[%add3A_22, %dma_start3A] : memref<80x128xi32, #tpu.memory_space<vmem>> -> memref<1x128xi32, #tpu.memory_space<vmem>>
        %dma_start3A_24 = tpu.memref_squeeze %dma_start3A_23 : memref<1x128xi32, #tpu.memory_space<vmem>> -> memref<128xi32, #tpu.memory_space<vmem>>
        %dma_start3A_25 = arith.constant 0 : i32
        %dma_start3A_26 = arith.constant 0 : i32
        %dma_start3A_27 = tpu.memref_slice %arg10[%dma_start3A_25, %dma_start3A_26] : memref<10240x128xf32, #tpu.memory_space<vmem_shared>> -> memref<10240x128xf32, #tpu.memory_space<vmem_shared>>
        tpu.enqueue_indirect_dma source(%arg9 : memref<128x128xf32, #tpu.memory_space<vmem>>) target(%dma_start3A_27 : memref<10240x128xf32, #tpu.memory_space<vmem_shared>>) offsets(%dma_start3A_24 : memref<128xi32, #tpu.memory_space<vmem>>) semaphore(%run_scoped3A : memref<!tpu.dma_semaphore, #tpu.memory_space<semaphore_mem>>) {add = true}
        %dma_wait3A = arith.constant 0 : i32
        %dma_wait3A_28 = tpu.memref_slice %arg8[%add3A_22, %dma_wait3A] : memref<80x128xi32, #tpu.memory_space<vmem>> -> memref<1x128xi32, #tpu.memory_space<vmem>>
        %dma_wait3A_29 = tpu.memref_squeeze %dma_wait3A_28 : memref<1x128xi32, #tpu.memory_space<vmem>> -> memref<128xi32, #tpu.memory_space<vmem>>
        %dma_wait3A_30 = arith.constant 0 : i32
        %dma_wait3A_31 = arith.constant 0 : i32
        %dma_wait3A_32 = tpu.memref_slice %arg10[%dma_wait3A_30, %dma_wait3A_31] : memref<10240x128xf32, #tpu.memory_space<vmem_shared>> -> memref<10240x128xf32, #tpu.memory_space<vmem_shared>>
        tpu.wait_indirect_dma semaphore(%run_scoped3A : memref<!tpu.dma_semaphore, #tpu.memory_space<semaphore_mem>>) src(%arg9 : memref<128x128xf32, #tpu.memory_space<vmem>>) dst(%dma_wait3A_32 : memref<10240x128xf32, #tpu.memory_space<vmem_shared>>)
        tpu.yield
      }) : () -> ()
    }
    %scan3A_12 = arith.constant 80 : i32
    %barrier3A_13 = arith.constant 0 : index
    tpu.barrier barrier_id(%barrier3A_13)
    %mul3A_14 = arith.constant 640 : i32
    %mul3A_15 = arith.muli %arg1, %mul3A_14 : i32
    %mul3A_16 = arith.constant 640 : i32
    %mul3A_17 = arith.muli %arg1, %mul3A_16 : i32
    "tpu.region"() ({
      %run_scoped3A = tpu.sem_alloc : memref<!tpu.dma_semaphore, #tpu.memory_space<semaphore_mem>>
      %dma_start3A = arith.constant 0 : i32
      %dma_start3A_18 = tpu.memref_slice %arg6[%arg0, %mul3A_17, %dma_start3A] : memref<2x10240x128xf32, #tpu.memory_space<hbm>> -> memref<1x640x128xf32, #tpu.memory_space<hbm>>
      %dma_start3A_19 = tpu.memref_squeeze %dma_start3A_18 : memref<1x640x128xf32, #tpu.memory_space<hbm>> -> memref<640x128xf32, #tpu.memory_space<hbm>>
      %dma_start3A_20 = arith.constant 0 : i32
      %dma_start3A_21 = tpu.memref_slice %arg10[%mul3A_15, %dma_start3A_20] : memref<10240x128xf32, #tpu.memory_space<vmem_shared>> -> memref<640x128xf32, #tpu.memory_space<vmem_shared>>
      tpu.enqueue_dma source(%dma_start3A_21 : memref<640x128xf32, #tpu.memory_space<vmem_shared>>) target(%dma_start3A_19 : memref<640x128xf32, #tpu.memory_space<hbm>>) target_semaphore(%run_scoped3A : memref<!tpu.dma_semaphore, #tpu.memory_space<semaphore_mem>>)
      %dma_wait3A = arith.constant 0 : i32
      %dma_wait3A_22 = tpu.memref_slice %arg6[%arg0, %mul3A_17, %dma_wait3A] : memref<2x10240x128xf32, #tpu.memory_space<hbm>> -> memref<1x640x128xf32, #tpu.memory_space<hbm>>
      %dma_wait3A_23 = tpu.memref_squeeze %dma_wait3A_22 : memref<1x640x128xf32, #tpu.memory_space<hbm>> -> memref<640x128xf32, #tpu.memory_space<hbm>>
      %dma_wait3A_24 = arith.constant 0 : i32
      %dma_wait3A_25 = tpu.memref_slice %arg10[%mul3A_15, %dma_wait3A_24] : memref<10240x128xf32, #tpu.memory_space<vmem_shared>> -> memref<640x128xf32, #tpu.memory_space<vmem_shared>>
      tpu.wait_dma2 semaphore(%run_scoped3A : memref<!tpu.dma_semaphore, #tpu.memory_space<semaphore_mem>>) src(%dma_wait3A_25 : memref<640x128xf32, #tpu.memory_space<vmem_shared>>) dst(%dma_wait3A_23 : memref<640x128xf32, #tpu.memory_space<hbm>>)
      tpu.yield
    }) : () -> ()
    return
  }
}

#map = affine_map<(d0, d1) -> (0, 0)>
module attributes {stable_mosaic.version = 14 : i64} {
  func.func @deg_kernel(%arg0: i32, %arg1: i32, %arg2: memref<2560x128xi32, #tpu.memory_space<hbm>>, %arg3: memref<2x10240xf32, #tpu.memory_space<hbm>>, %arg4: memref<80x128xi32, #tpu.memory_space<vmem>>, %arg5: memref<10240xf32, #tpu.memory_space<vmem>>, %arg6: memref<640xf32, #tpu.memory_space<vmem>>, %arg7: memref<640xf32, #tpu.memory_space<vmem>>, %arg8: memref<16x10240xf32, #tpu.memory_space<vmem_shared>>) attributes {dimension_semantics = [#tpu.dimension_semantics<core_parallel>, #tpu.dimension_semantics<subcore_parallel>], iteration_bounds = array<i64: 2, 16>, scalar_prefetch = 0 : i64, scratch_operands = 5 : i64, tpu.core_type = #tpu.core_type<sc_vector_subcore>, window_params = [{transform_indices = #map}, {transform_indices = #map}]} {
    %mul3A = arith.constant 2 : i32
    %mul3A_0 = arith.muli %arg1, %mul3A : i32
    %add3A = arith.addi %mul3A_0, %arg0 : i32
    %scan3A = arith.constant 0 : i32
    %scan3A_1 = arith.constant 640 : i32
    %scan3A_2 = arith.addi %scan3A, %scan3A_1 : i32
    %scan3A_3 = arith.constant 1 : i32
    scf.for %scan3A_22 = %scan3A to %scan3A_2 step %scan3A_3  : i32 {
      %mul3A_23 = arith.constant 16 : i32
      %mul3A_24 = arith.muli %scan3A_22, %mul3A_23 : i32
      %add3A_25 = arith.constant 0 : i32
      %add3A_26 = arith.addi %add3A_25, %mul3A_24 : i32
      %broadcast_in_dim3A_27 = arith.constant 0.000000e+00 : f32
      %broadcast_in_dim3A_28 = vector.broadcast %broadcast_in_dim3A_27 : f32 to vector<16xf32>
      %swap3A = arith.index_cast %add3A_26 : i32 to index
      %swap3A_29 = tpu.vector_load %arg5[%swap3A] {strides = array<i32>} : memref<10240xf32, #tpu.memory_space<vmem>>, vector<16xf32>,
      tpu.vector_store %arg5[%swap3A], %broadcast_in_dim3A_28 {strides = array<i32>} : memref<10240xf32, #tpu.memory_space<vmem>>, vector<16xf32>,
    }
    %scan3A_4 = arith.constant 640 : i32
    %mul3A_5 = arith.constant 80 : i32
    %mul3A_6 = arith.muli %add3A, %mul3A_5 : i32
    "tpu.region"() ({
      %run_scoped3A_22 = tpu.sem_alloc : memref<!tpu.dma_semaphore, #tpu.memory_space<semaphore_mem>>
      %dma_start3A = arith.constant 0 : i32
      %dma_start3A_23 = tpu.memref_slice %arg2[%mul3A_6, %dma_start3A] : memref<2560x128xi32, #tpu.memory_space<hbm>> -> memref<80x128xi32, #tpu.memory_space<hbm>>
      %dma_start3A_24 = arith.constant 0 : i32
      %dma_start3A_25 = tpu.memref_slice %arg2[%mul3A_6, %dma_start3A_24] : memref<2560x128xi32, #tpu.memory_space<hbm>> -> memref<80x128xi32, #tpu.memory_space<hbm>>
      tpu.enqueue_dma source(%dma_start3A_25 : memref<80x128xi32, #tpu.memory_space<hbm>>) target(%arg4 : memref<80x128xi32, #tpu.memory_space<vmem>>) target_semaphore(%run_scoped3A_22 : memref<!tpu.dma_semaphore, #tpu.memory_space<semaphore_mem>>)
      %dma_wait3A = arith.constant 0 : i32
      %dma_wait3A_26 = tpu.memref_slice %arg2[%mul3A_6, %dma_wait3A] : memref<2560x128xi32, #tpu.memory_space<hbm>> -> memref<80x128xi32, #tpu.memory_space<hbm>>
      %dma_wait3A_27 = arith.constant 0 : i32
      %dma_wait3A_28 = tpu.memref_slice %arg2[%mul3A_6, %dma_wait3A_27] : memref<2560x128xi32, #tpu.memory_space<hbm>> -> memref<80x128xi32, #tpu.memory_space<hbm>>
      tpu.wait_dma2 semaphore(%run_scoped3A_22 : memref<!tpu.dma_semaphore, #tpu.memory_space<semaphore_mem>>) src(%dma_wait3A_28 : memref<80x128xi32, #tpu.memory_space<hbm>>) dst(%arg4 : memref<80x128xi32, #tpu.memory_space<vmem>>)
      tpu.yield
    }) : () -> ()
    %broadcast_in_dim3A = arith.constant 1.000000e+00 : f32
    %broadcast_in_dim3A_7 = vector.broadcast %broadcast_in_dim3A : f32 to vector<16xf32>
    %scan3A_8 = arith.constant 0 : i32
    %scan3A_9 = arith.constant 80 : i32
    %scan3A_10 = arith.addi %scan3A_8, %scan3A_9 : i32
    %scan3A_11 = arith.constant 1 : i32
    scf.for %scan3A_22 = %scan3A_8 to %scan3A_10 step %scan3A_11  : i32 {
      %mul3A_23 = arith.constant 1 : i32
      %mul3A_24 = arith.muli %scan3A_22, %mul3A_23 : i32
      %add3A_25 = arith.constant 0 : i32
      %add3A_26 = arith.addi %add3A_25, %mul3A_24 : i32
      %scan3A_27 = arith.constant 0 : i32
      %scan3A_28 = arith.constant 8 : i32
      %scan3A_29 = arith.addi %scan3A_27, %scan3A_28 : i32
      %scan3A_30 = arith.constant 1 : i32
      scf.for %scan3A_32 = %scan3A_27 to %scan3A_29 step %scan3A_30  : i32 {
        %mul3A_33 = arith.constant 16 : i32
        %mul3A_34 = arith.muli %scan3A_32, %mul3A_33 : i32
        %add3A_35 = arith.constant 0 : i32
        %add3A_36 = arith.addi %add3A_35, %mul3A_34 : i32
        %get3A = arith.index_cast %add3A_26 : i32 to index
        %get3A_37 = arith.index_cast %add3A_36 : i32 to index
        %get3A_38 = tpu.vector_load %arg4[%get3A, %get3A_37] {strides = array<i32>} : memref<80x128xi32, #tpu.memory_space<vmem>>, vector<16xi32>,
        tpu.vector_store_idx %arg5[%get3A_38], %broadcast_in_dim3A_7 {add = true} : memref<10240xf32, #tpu.memory_space<vmem>>[vector<16xi32>], vector<16xf32>,
      }
      %scan3A_31 = arith.constant 8 : i32
    }
    %scan3A_12 = arith.constant 80 : i32
    "tpu.region"() ({
      %run_scoped3A_22 = tpu.sem_alloc : memref<!tpu.dma_semaphore, #tpu.memory_space<semaphore_mem>>
      %dma_start3A = arith.constant 0 : i32
      %dma_start3A_23 = tpu.memref_slice %arg8[%arg1, %dma_start3A] : memref<16x10240xf32, #tpu.memory_space<vmem_shared>> -> memref<1x10240xf32, #tpu.memory_space<vmem_shared>>
      %dma_start3A_24 = tpu.memref_squeeze %dma_start3A_23 : memref<1x10240xf32, #tpu.memory_space<vmem_shared>> -> memref<10240xf32, #tpu.memory_space<vmem_shared>>
      %dma_start3A_25 = arith.constant 0 : i32
      %dma_start3A_26 = tpu.memref_slice %arg8[%arg1, %dma_start3A_25] : memref<16x10240xf32, #tpu.memory_space<vmem_shared>> -> memref<1x10240xf32, #tpu.memory_space<vmem_shared>>
      %dma_start3A_27 = tpu.memref_squeeze %dma_start3A_26 : memref<1x10240xf32, #tpu.memory_space<vmem_shared>> -> memref<10240xf32, #tpu.memory_space<vmem_shared>>
      tpu.enqueue_dma source(%arg5 : memref<10240xf32, #tpu.memory_space<vmem>>) target(%dma_start3A_27 : memref<10240xf32, #tpu.memory_space<vmem_shared>>) target_semaphore(%run_scoped3A_22 : memref<!tpu.dma_semaphore, #tpu.memory_space<semaphore_mem>>)
      %dma_wait3A = arith.constant 0 : i32
      %dma_wait3A_28 = tpu.memref_slice %arg8[%arg1, %dma_wait3A] : memref<16x10240xf32, #tpu.memory_space<vmem_shared>> -> memref<1x10240xf32, #tpu.memory_space<vmem_shared>>
      %dma_wait3A_29 = tpu.memref_squeeze %dma_wait3A_28 : memref<1x10240xf32, #tpu.memory_space<vmem_shared>> -> memref<10240xf32, #tpu.memory_space<vmem_shared>>
      %dma_wait3A_30 = arith.constant 0 : i32
      %dma_wait3A_31 = tpu.memref_slice %arg8[%arg1, %dma_wait3A_30] : memref<16x10240xf32, #tpu.memory_space<vmem_shared>> -> memref<1x10240xf32, #tpu.memory_space<vmem_shared>>
      %dma_wait3A_32 = tpu.memref_squeeze %dma_wait3A_31 : memref<1x10240xf32, #tpu.memory_space<vmem_shared>> -> memref<10240xf32, #tpu.memory_space<vmem_shared>>
      tpu.wait_dma2 semaphore(%run_scoped3A_22 : memref<!tpu.dma_semaphore, #tpu.memory_space<semaphore_mem>>) src(%arg5 : memref<10240xf32, #tpu.memory_space<vmem>>) dst(%dma_wait3A_32 : memref<10240xf32, #tpu.memory_space<vmem_shared>>)
      tpu.yield
    }) : () -> ()
    %barrier3A = arith.constant 0 : index
    tpu.barrier barrier_id(%barrier3A)
    %mul3A_13 = arith.constant 640 : i32
    %mul3A_14 = arith.muli %arg1, %mul3A_13 : i32
    %run_scoped3A = arith.constant 0 : i32
    "tpu.region"() ({
      %run_scoped3A_22 = tpu.sem_alloc : memref<!tpu.dma_semaphore, #tpu.memory_space<semaphore_mem>>
      %dma_start3A = tpu.memref_slice %arg8[%run_scoped3A, %mul3A_14] : memref<16x10240xf32, #tpu.memory_space<vmem_shared>> -> memref<1x640xf32, #tpu.memory_space<vmem_shared>>
      %dma_start3A_23 = tpu.memref_squeeze %dma_start3A : memref<1x640xf32, #tpu.memory_space<vmem_shared>> -> memref<640xf32, #tpu.memory_space<vmem_shared>>
      %dma_start3A_24 = tpu.memref_slice %arg8[%run_scoped3A, %mul3A_14] : memref<16x10240xf32, #tpu.memory_space<vmem_shared>> -> memref<1x640xf32, #tpu.memory_space<vmem_shared>>
      %dma_start3A_25 = tpu.memref_squeeze %dma_start3A_24 : memref<1x640xf32, #tpu.memory_space<vmem_shared>> -> memref<640xf32, #tpu.memory_space<vmem_shared>>
      tpu.enqueue_dma source(%dma_start3A_25 : memref<640xf32, #tpu.memory_space<vmem_shared>>) target(%arg6 : memref<640xf32, #tpu.memory_space<vmem>>) target_semaphore(%run_scoped3A_22 : memref<!tpu.dma_semaphore, #tpu.memory_space<semaphore_mem>>)
      %dma_wait3A = tpu.memref_slice %arg8[%run_scoped3A, %mul3A_14] : memref<16x10240xf32, #tpu.memory_space<vmem_shared>> -> memref<1x640xf32, #tpu.memory_space<vmem_shared>>
      %dma_wait3A_26 = tpu.memref_squeeze %dma_wait3A : memref<1x640xf32, #tpu.memory_space<vmem_shared>> -> memref<640xf32, #tpu.memory_space<vmem_shared>>
      %dma_wait3A_27 = tpu.memref_slice %arg8[%run_scoped3A, %mul3A_14] : memref<16x10240xf32, #tpu.memory_space<vmem_shared>> -> memref<1x640xf32, #tpu.memory_space<vmem_shared>>
      %dma_wait3A_28 = tpu.memref_squeeze %dma_wait3A_27 : memref<1x640xf32, #tpu.memory_space<vmem_shared>> -> memref<640xf32, #tpu.memory_space<vmem_shared>>
      tpu.wait_dma2 semaphore(%run_scoped3A_22 : memref<!tpu.dma_semaphore, #tpu.memory_space<semaphore_mem>>) src(%dma_wait3A_28 : memref<640xf32, #tpu.memory_space<vmem_shared>>) dst(%arg6 : memref<640xf32, #tpu.memory_space<vmem>>)
      tpu.yield
    }) : () -> ()
    %scan3A_15 = arith.constant 0 : i32
    %scan3A_16 = arith.constant 15 : i32
    %scan3A_17 = arith.addi %scan3A_15, %scan3A_16 : i32
    %scan3A_18 = arith.constant 1 : i32
    scf.for %scan3A_22 = %scan3A_15 to %scan3A_17 step %scan3A_18  : i32 {
      %mul3A_23 = arith.constant 1 : i32
      %mul3A_24 = arith.muli %scan3A_22, %mul3A_23 : i32
      %add3A_25 = arith.constant 1 : i32
      %add3A_26 = arith.addi %add3A_25, %mul3A_24 : i32
      %mul3A_27 = arith.constant 640 : i32
      %mul3A_28 = arith.muli %arg1, %mul3A_27 : i32
      "tpu.region"() ({
        %run_scoped3A_34 = tpu.sem_alloc : memref<!tpu.dma_semaphore, #tpu.memory_space<semaphore_mem>>
        %dma_start3A = tpu.memref_slice %arg8[%add3A_26, %mul3A_28] : memref<16x10240xf32, #tpu.memory_space<vmem_shared>> -> memref<1x640xf32, #tpu.memory_space<vmem_shared>>
        %dma_start3A_35 = tpu.memref_squeeze %dma_start3A : memref<1x640xf32, #tpu.memory_space<vmem_shared>> -> memref<640xf32, #tpu.memory_space<vmem_shared>>
        %dma_start3A_36 = tpu.memref_slice %arg8[%add3A_26, %mul3A_28] : memref<16x10240xf32, #tpu.memory_space<vmem_shared>> -> memref<1x640xf32, #tpu.memory_space<vmem_shared>>
        %dma_start3A_37 = tpu.memref_squeeze %dma_start3A_36 : memref<1x640xf32, #tpu.memory_space<vmem_shared>> -> memref<640xf32, #tpu.memory_space<vmem_shared>>
        tpu.enqueue_dma source(%dma_start3A_37 : memref<640xf32, #tpu.memory_space<vmem_shared>>) target(%arg7 : memref<640xf32, #tpu.memory_space<vmem>>) target_semaphore(%run_scoped3A_34 : memref<!tpu.dma_semaphore, #tpu.memory_space<semaphore_mem>>)
        %dma_wait3A = tpu.memref_slice %arg8[%add3A_26, %mul3A_28] : memref<16x10240xf32, #tpu.memory_space<vmem_shared>> -> memref<1x640xf32, #tpu.memory_space<vmem_shared>>
        %dma_wait3A_38 = tpu.memref_squeeze %dma_wait3A : memref<1x640xf32, #tpu.memory_space<vmem_shared>> -> memref<640xf32, #tpu.memory_space<vmem_shared>>
        %dma_wait3A_39 = tpu.memref_slice %arg8[%add3A_26, %mul3A_28] : memref<16x10240xf32, #tpu.memory_space<vmem_shared>> -> memref<1x640xf32, #tpu.memory_space<vmem_shared>>
        %dma_wait3A_40 = tpu.memref_squeeze %dma_wait3A_39 : memref<1x640xf32, #tpu.memory_space<vmem_shared>> -> memref<640xf32, #tpu.memory_space<vmem_shared>>
        tpu.wait_dma2 semaphore(%run_scoped3A_34 : memref<!tpu.dma_semaphore, #tpu.memory_space<semaphore_mem>>) src(%dma_wait3A_40 : memref<640xf32, #tpu.memory_space<vmem_shared>>) dst(%arg7 : memref<640xf32, #tpu.memory_space<vmem>>)
        tpu.yield
      }) : () -> ()
      %scan3A_29 = arith.constant 0 : i32
      %scan3A_30 = arith.constant 40 : i32
      %scan3A_31 = arith.addi %scan3A_29, %scan3A_30 : i32
      %scan3A_32 = arith.constant 1 : i32
      scf.for %scan3A_34 = %scan3A_29 to %scan3A_31 step %scan3A_32  : i32 {
        %mul3A_35 = arith.constant 16 : i32
        %mul3A_36 = arith.muli %scan3A_34, %mul3A_35 : i32
        %add3A_37 = arith.constant 0 : i32
        %add3A_38 = arith.addi %add3A_37, %mul3A_36 : i32
        %get3A = arith.index_cast %add3A_38 : i32 to index
        %get3A_39 = tpu.vector_load %arg6[%get3A] {strides = array<i32>} : memref<640xf32, #tpu.memory_space<vmem>>, vector<16xf32>,
        %get3A_40 = arith.index_cast %add3A_38 : i32 to index
        %get3A_41 = tpu.vector_load %arg7[%get3A_40] {strides = array<i32>} : memref<640xf32, #tpu.memory_space<vmem>>, vector<16xf32>,
        %add3A_42 = arith.addf %get3A_39, %get3A_41 : vector<16xf32>
        %swap3A = arith.index_cast %add3A_38 : i32 to index
        %swap3A_43 = tpu.vector_load %arg6[%swap3A] {strides = array<i32>} : memref<640xf32, #tpu.memory_space<vmem>>, vector<16xf32>,
        tpu.vector_store %arg6[%swap3A], %add3A_42 {strides = array<i32>} : memref<640xf32, #tpu.memory_space<vmem>>, vector<16xf32>,
      }
      %scan3A_33 = arith.constant 40 : i32
    }
    %scan3A_19 = arith.constant 15 : i32
    %mul3A_20 = arith.constant 640 : i32
    %mul3A_21 = arith.muli %arg1, %mul3A_20 : i32
    "tpu.region"() ({
      %run_scoped3A_22 = tpu.sem_alloc : memref<!tpu.dma_semaphore, #tpu.memory_space<semaphore_mem>>
      %dma_start3A = tpu.memref_slice %arg3[%arg0, %mul3A_21] : memref<2x10240xf32, #tpu.memory_space<hbm>> -> memref<1x640xf32, #tpu.memory_space<hbm>>
      %dma_start3A_23 = tpu.memref_squeeze %dma_start3A : memref<1x640xf32, #tpu.memory_space<hbm>> -> memref<640xf32, #tpu.memory_space<hbm>>
      %dma_start3A_24 = tpu.memref_slice %arg3[%arg0, %mul3A_21] : memref<2x10240xf32, #tpu.memory_space<hbm>> -> memref<1x640xf32, #tpu.memory_space<hbm>>
      %dma_start3A_25 = tpu.memref_squeeze %dma_start3A_24 : memref<1x640xf32, #tpu.memory_space<hbm>> -> memref<640xf32, #tpu.memory_space<hbm>>
      tpu.enqueue_dma source(%arg6 : memref<640xf32, #tpu.memory_space<vmem>>) target(%dma_start3A_25 : memref<640xf32, #tpu.memory_space<hbm>>) target_semaphore(%run_scoped3A_22 : memref<!tpu.dma_semaphore, #tpu.memory_space<semaphore_mem>>)
      %dma_wait3A = tpu.memref_slice %arg3[%arg0, %mul3A_21] : memref<2x10240xf32, #tpu.memory_space<hbm>> -> memref<1x640xf32, #tpu.memory_space<hbm>>
      %dma_wait3A_26 = tpu.memref_squeeze %dma_wait3A : memref<1x640xf32, #tpu.memory_space<hbm>> -> memref<640xf32, #tpu.memory_space<hbm>>
      %dma_wait3A_27 = tpu.memref_slice %arg3[%arg0, %mul3A_21] : memref<2x10240xf32, #tpu.memory_space<hbm>> -> memref<1x640xf32, #tpu.memory_space<hbm>>
      %dma_wait3A_28 = tpu.memref_squeeze %dma_wait3A_27 : memref<1x640xf32, #tpu.memory_space<hbm>> -> memref<640xf32, #tpu.memory_space<hbm>>
      tpu.wait_dma2 semaphore(%run_scoped3A_22 : memref<!tpu.dma_semaphore, #tpu.memory_space<semaphore_mem>>) src(%arg6 : memref<640xf32, #tpu.memory_space<vmem>>) dst(%dma_wait3A_28 : memref<640xf32, #tpu.memory_space<hbm>>)
      tpu.yield
    }) : () -> ()
    return
  }
}

module attributes {stable_mosaic.version = 14 : i64} {
  func.func @body(%arg0: i32, %arg1: memref<2000x1xf32, #tpu.memory_space<vmem>>, %arg2: memref<2000x1xf32, #tpu.memory_space<vmem>>, %arg3: memref<2000x128xf32, #tpu.memory_space<vmem>>, %arg4: memref<2000x128xf32, #tpu.memory_space<vmem>>) attributes {dimension_semantics = [#tpu.dimension_semantics<arbitrary>], iteration_bounds = array<i64: 5>, scalar_prefetch = 0 : i64, scratch_operands = 0 : i64, tpu.core_type = #tpu.core_type<tc>, window_params = [{transform_indices = @transform_0, window_bounds = array<i64: 2000, 1>}, {transform_indices = @transform_1, window_bounds = array<i64: 2000, 1>}, {transform_indices = @transform_2, window_bounds = array<i64: 2000, 128>}, {transform_indices = @transform_3, window_bounds = array<i64: 2000, 128>}]} {
    %get3A = arith.constant 0 : index
    %get3A_0 = arith.constant 0 : index
    %get3A_1 = vector.load %arg1[%get3A, %get3A_0] : memref<2000x1xf32, #tpu.memory_space<vmem>>, vector<2000x1xf32>
    %get3A_2 = arith.constant 0 : index
    %get3A_3 = arith.constant 0 : index
    %get3A_4 = vector.load %arg2[%get3A_2, %get3A_3] : memref<2000x1xf32, #tpu.memory_space<vmem>>, vector<2000x1xf32>
    %add3A = arith.addf %get3A_1, %get3A_4 : vector<2000x1xf32>
    %gt3A = arith.constant 0.000000e+00 : f32
    %gt3A_5 = vector.broadcast %gt3A : f32 to vector<2000x1xf32>
    %gt3A_6 = arith.cmpf ogt, %add3A, %gt3A_5 : vector<2000x1xf32>
    %max3A = arith.constant 9.99999996E-13 : f32
    %max3A_7 = vector.broadcast %max3A : f32 to vector<2000x1xf32>
    %max3A_8 = arith.maximumf %add3A, %max3A_7 : vector<2000x1xf32>
    %rsqrt3A = math.rsqrt %max3A_8 : vector<2000x1xf32>
    %jit3A = arith.constant 0.000000e+00 : f32
    %broadcast_in_dim3A = vector.broadcast %jit3A : f32 to vector<2000x1xf32>
    %select_n3A = arith.select %gt3A_6, %rsqrt3A, %broadcast_in_dim3A : vector<2000x1xi1>, vector<2000x1xf32>
    %get3A_9 = arith.constant 0 : index
    %get3A_10 = arith.constant 0 : index
    %get3A_11 = vector.load %arg3[%get3A_9, %get3A_10] : memref<2000x128xf32, #tpu.memory_space<vmem>>, vector<2000x128xf32>
    %mul3A = vector.broadcast %select_n3A : vector<2000x1xf32> to vector<2000x128xf32>
    %mul3A_12 = arith.mulf %mul3A, %get3A_11 : vector<2000x128xf32>
    %swap3A = arith.constant 0 : index
    %swap3A_13 = arith.constant 0 : index
    %swap3A_14 = vector.load %arg4[%swap3A, %swap3A_13] : memref<2000x128xf32, #tpu.memory_space<vmem>>, vector<2000x128xf32>
    tpu.vector_store %arg4[%swap3A, %swap3A_13], %mul3A_12 {strides = array<i32>} : memref<2000x128xf32, #tpu.memory_space<vmem>>, vector<2000x128xf32>,
    return
  }
  func.func @transform_0(%arg0: i32) -> (i32, i32) {
    %c0_i32 = arith.constant 0 : i32
    %c0_i32_0 = arith.constant 0 : i32
    return %arg0, %c0_i32 : i32, i32
  }
  func.func @transform_1(%arg0: i32) -> (i32, i32) {
    %c0_i32 = arith.constant 0 : i32
    %c0_i32_0 = arith.constant 0 : i32
    return %arg0, %c0_i32 : i32, i32
  }
  func.func @transform_2(%arg0: i32) -> (i32, i32) {
    %c0_i32 = arith.constant 0 : i32
    %c0_i32_0 = arith.constant 0 : i32
    return %arg0, %c0_i32 : i32, i32
  }
  func.func @transform_3(%arg0: i32) -> (i32, i32) {
    %c0_i32 = arith.constant 0 : i32
    %c0_i32_0 = arith.constant 0 : i32
    return %arg0, %c0_i32 : i32, i32
  }
}

module attributes {stable_mosaic.version = 14 : i64} {
  func.func @body(%arg0: i32, %arg1: memref<1000x128xf32, #tpu.memory_space<vmem>>, %arg2: memref<1000x128xf32, #tpu.memory_space<vmem>>, %arg3: memref<1000x1xf32, #tpu.memory_space<vmem>>, %arg4: memref<1000x1xf32, #tpu.memory_space<vmem>>, %arg5: memref<128x128xf32, #tpu.memory_space<vmem>>, %arg6: memref<1x128xf32, #tpu.memory_space<vmem>>, %arg7: memref<1000x128xf32, #tpu.memory_space<vmem>>) attributes {dimension_semantics = [#tpu.dimension_semantics<arbitrary>], iteration_bounds = array<i64: 10>, scalar_prefetch = 0 : i64, scratch_operands = 0 : i64, tpu.core_type = #tpu.core_type<tc>, window_params = [{transform_indices = @transform_0, window_bounds = array<i64: 1000, 128>}, {transform_indices = @transform_1, window_bounds = array<i64: 1000, 128>}, {transform_indices = @transform_2, window_bounds = array<i64: 1000, 1>}, {transform_indices = @transform_3, window_bounds = array<i64: 1000, 1>}, {pipeline_mode = #tpu.pipeline_mode<synchronous>, transform_indices = @transform_4, window_bounds = array<i64: 128, 128>}, {pipeline_mode = #tpu.pipeline_mode<synchronous>, transform_indices = @transform_5, window_bounds = array<i64: 1, 128>}, {transform_indices = @transform_6, window_bounds = array<i64: 1000, 128>}]} {
    %get3A = arith.constant 0 : index
    %get3A_0 = arith.constant 0 : index
    %get3A_1 = vector.load %arg3[%get3A, %get3A_0] : memref<1000x1xf32, #tpu.memory_space<vmem>>, vector<1000x1xf32>
    %get3A_2 = arith.constant 0 : index
    %get3A_3 = arith.constant 0 : index
    %get3A_4 = vector.load %arg4[%get3A_2, %get3A_3] : memref<1000x1xf32, #tpu.memory_space<vmem>>, vector<1000x1xf32>
    %add3A = arith.addf %get3A_1, %get3A_4 : vector<1000x1xf32>
    %gt3A = arith.constant 0.000000e+00 : f32
    %gt3A_5 = vector.broadcast %gt3A : f32 to vector<1000x1xf32>
    %gt3A_6 = arith.cmpf ogt, %add3A, %gt3A_5 : vector<1000x1xf32>
    %max3A = arith.constant 9.99999996E-13 : f32
    %max3A_7 = vector.broadcast %max3A : f32 to vector<1000x1xf32>
    %max3A_8 = arith.maximumf %add3A, %max3A_7 : vector<1000x1xf32>
    %rsqrt3A = math.rsqrt %max3A_8 : vector<1000x1xf32>
    %jit3A = arith.constant 0.000000e+00 : f32
    %broadcast_in_dim3A = vector.broadcast %jit3A : f32 to vector<1000x1xf32>
    %select_n3A = arith.select %gt3A_6, %rsqrt3A, %broadcast_in_dim3A : vector<1000x1xi1>, vector<1000x1xf32>
    %get3A_9 = arith.constant 0 : index
    %get3A_10 = arith.constant 0 : index
    %get3A_11 = vector.load %arg1[%get3A_9, %get3A_10] : memref<1000x128xf32, #tpu.memory_space<vmem>>, vector<1000x128xf32>
    %get3A_12 = arith.constant 0 : index
    %get3A_13 = arith.constant 0 : index
    %get3A_14 = vector.load %arg2[%get3A_12, %get3A_13] : memref<1000x128xf32, #tpu.memory_space<vmem>>, vector<1000x128xf32>
    %add3A_15 = arith.addf %get3A_11, %get3A_14 : vector<1000x128xf32>
    %mul3A = vector.broadcast %select_n3A : vector<1000x1xf32> to vector<1000x128xf32>
    %mul3A_16 = arith.mulf %add3A_15, %mul3A : vector<1000x128xf32>
    %get3A_17 = arith.constant 0 : index
    %get3A_18 = arith.constant 0 : index
    %get3A_19 = vector.load %arg5[%get3A_17, %get3A_18] : memref<128x128xf32, #tpu.memory_space<vmem>>, vector<128x128xf32>
    %dot_general3A = arith.constant dense<0.000000e+00> : vector<1000x128xf32>
    %dot_general3A_20 = tpu.matmul %mul3A_16, %get3A_19, %dot_general3A {dimension_numbers = #tpu.dot_dimension_numbers<[1], [0], [0], [1], [0, 0, 1, 1], [], []>, transpose_lhs_hint = false} : vector<1000x128xf32>, vector<128x128xf32>, vector<1000x128xf32> -> vector<1000x128xf32>
    %get3A_21 = arith.constant 0 : index
    %get3A_22 = arith.constant 0 : index
    %get3A_23 = vector.load %arg6[%get3A_21, %get3A_22] : memref<1x128xf32, #tpu.memory_space<vmem>>, vector<1x128xf32>
    %add3A_24 = vector.broadcast %get3A_23 : vector<1x128xf32> to vector<1000x128xf32>
    %add3A_25 = arith.addf %dot_general3A_20, %add3A_24 : vector<1000x128xf32>
    %gt3A_26 = arith.constant 0.000000e+00 : f32
    %gt3A_27 = vector.broadcast %gt3A_26 : f32 to vector<1000x128xf32>
    %gt3A_28 = arith.cmpf ogt, %add3A_25, %gt3A_27 : vector<1000x128xf32>
    %mul3A_29 = arith.constant 2.000000e-01 : f32
    %mul3A_30 = vector.broadcast %mul3A_29 : f32 to vector<1000x128xf32>
    %mul3A_31 = arith.mulf %mul3A_30, %add3A_25 : vector<1000x128xf32>
    %select_n3A_32 = arith.select %gt3A_28, %add3A_25, %mul3A_31 : vector<1000x128xi1>, vector<1000x128xf32>
    %swap3A = arith.constant 0 : index
    %swap3A_33 = arith.constant 0 : index
    %swap3A_34 = vector.load %arg7[%swap3A, %swap3A_33] : memref<1000x128xf32, #tpu.memory_space<vmem>>, vector<1000x128xf32>
    tpu.vector_store %arg7[%swap3A, %swap3A_33], %select_n3A_32 {strides = array<i32>} : memref<1000x128xf32, #tpu.memory_space<vmem>>, vector<1000x128xf32>,
    return
  }
  func.func @transform_0(%arg0: i32) -> (i32, i32) {
    %c0_i32 = arith.constant 0 : i32
    %c0_i32_0 = arith.constant 0 : i32
    return %arg0, %c0_i32 : i32, i32
  }
  func.func @transform_1(%arg0: i32) -> (i32, i32) {
    %c0_i32 = arith.constant 0 : i32
    %c0_i32_0 = arith.constant 0 : i32
    return %arg0, %c0_i32 : i32, i32
  }
  func.func @transform_2(%arg0: i32) -> (i32, i32) {
    %c0_i32 = arith.constant 0 : i32
    %c0_i32_0 = arith.constant 0 : i32
    return %arg0, %c0_i32 : i32, i32
  }
  func.func @transform_3(%arg0: i32) -> (i32, i32) {
    %c0_i32 = arith.constant 0 : i32
    %c0_i32_0 = arith.constant 0 : i32
    return %arg0, %c0_i32 : i32, i32
  }
  func.func @transform_4(%arg0: i32) -> (i32, i32) {
    %c0_i32 = arith.constant 0 : i32
    %c0_i32_0 = arith.constant 0 : i32
    %c0_i32_1 = arith.constant 0 : i32
    return %c0_i32, %c0_i32_0 : i32, i32
  }
  func.func @transform_5(%arg0: i32) -> (i32, i32) {
    %c0_i32 = arith.constant 0 : i32
    %c0_i32_0 = arith.constant 0 : i32
    %c0_i32_1 = arith.constant 0 : i32
    return %c0_i32, %c0_i32_0 : i32, i32
  }
  func.func @transform_6(%arg0: i32) -> (i32, i32) {
    %c0_i32 = arith.constant 0 : i32
    %c0_i32_0 = arith.constant 0 : i32
    return %arg0, %c0_i32 : i32, i32
  }
}

</mosaic_0001>

<sc_bundles>
// kernel: kernel.6.cloned.1.call-start
scs
__scs_entry_jumppad:
0x0: {  	(pc) =	sbr.rel $0x88, $3  }
0x1: {  	(tag) =	ssettag $0x0;
	lr =	simm.s32 $0x1  }
0x2: {  	[smem:$0x3F9D] =	sst lr;
	_ =	strace $0xD0000000  }
0x3: {  	_ = 	snop  }
0x4: {  	_ = 	snop  }
0x5: {  	_ = 	snop  }
0x6: {  	_ = 	snop  }
0x7: {  	_ = 	snop  }
__scs_overlays_trampoline_lowered:
0x8: {  	[smem:$0x3FAC] =	sst s0  }
0x9: {  	[smem:$0x3FAD] =	sst s1  }
0xa: {  	[smem:$0x3FAE] =	sst s2  }
0xb: {  	[smem:$0x3FAF] =	sst s3  }
0xc: {  	[smem:$0x3FB0] =	sst s4  }
0xd: {  	[smem:$0x3FB1] =	sst s5  }
0xe: {  	[smem:$0x3FB2] =	sst s6  }
0xf: {  	[smem:$0x3FB3] =	sst s7  }
0x10: {  	[smem:$0x3FB4] =	sst s8  }
0x11: {  	[smem:$0x3FB5] =	sst s9;
	s0 =	simm.s32 @!p0 $0x0  }
0x12: {  	s1 =	sld [smem:$0x3F9B];
	s0 =	simm.s32 @p0 $0x1  }
0x13: {  	[smem:$0x3FB6] =	sst s0;
	s0 =	simm.s32 @!p1 $0x0  }
0x14: {  	s2 =	sld [smem:$0x3F9A];
	s0 =	simm.s32 @p1 $0x1  }
0x15: {  	[smem:$0x3FB7] =	sst s0;
	s0 =	simm.s32 @!p2 $0x0  }
0x16: {  	s3 =	sld [smem:$0x3FDB];
	s0 =	simm.s32 @p2 $0x1  }
0x17: {  	s4 =	simm.s32 $0x1BF5;
	[smem:$0x3FB9] =	sst s0  }
0x18: {  	s0 =	sld [smem:$0x3F9C];
	_ =	swait.ge [sflag:s4], $0x0  }
0x19: {  	s7 =	sld [smem:$0x3F9D]  }
0x1a: {  	s8 =	sadd.s32 $0xFFFFE003, lr  }
0x1b: {  	s9 =	sadd.s32 $0xFFFFFEF7, lr;
	s5 =	simm.s32 $0xFFFFFFFF;
	p2 =	slt.u32 s8, $0xFFFFF086  }
0x1c: {  	p1 =	slt.u32 s9, $0xF7A;
	s5 =	simm.s32 @!p2 $0x0  }
0x1d: {  	s5 =	simm.s32 @p1 $0x1;
	p0 =	seq.s32 s7, s2  }
0x1e: {  	s7 =	smul.u32 @!p0 $0xF7A, s2;
	p2 =	seq.s32 @!p0 s5, $0x0  }
0x1f: {  	s9 =	smul.u32 $0xF7A, s1;
	s8 =	simm.s32 @!p0 $0x1BF5;
	p2 =	por !p2, p0  }
0x20: {  	[sflag:s8] =	ssyncset.s32 @!p0 $0xFFFFF086;
	s6 =	sadd.s32 @!p0 s3, s7;
	s7 =	simm.s32 @!p0 $0x108  }
0x21: {  	s3 =	sadd.s32 s3, s9;
	s6 =	sadd.s32 @!p0 $0x88, s6;
	s7 =	simm.s32 @p2 $0x1082  }
0x22: {  	[simem:s7], [sflag:s8] =	dma.local @!p0 [hbm:s6], $0xF7A  }
0x23: {  	s9 =	sor.u32 $0xD0000000, s2;
	s6 =	simm.s32 $0x108;
	_ =	swait.ge @!p0 [sflag:s8], $0x0  }
0x24: {  	s3 =	sadd.s32 $0x88, s3;
	s6 =	simm.s32 @!p1 $0x1082;
	[sflag:s4] =	ssyncset.s32 $0xFFFFF086  }
0x25: {  	[simem:s6], [sflag:s4] =	dma.local [hbm:s3], $0xF7A  }
0x26: {  	[smem:$0x3F9D] =	sst s1;
	(tag) =	ssettag s2;
	_ =	strace s9  }
0x27: {  	s1 =	sld [smem:$0x3FAD]  }
0x28: {  	s2 =	sld [smem:$0x3FAE]  }
0x29: {  	s4 =	sld [smem:$0x3FB0]  }
0x2a: {  	p0 =	seq.s32 s5, $0x0;
	s5 =	sld [smem:$0x3FB1]  }
0x2b: {  	s6 =	sld [smem:$0x3FB2]  }
0x2c: {  	s7 =	sld [smem:$0x3FB3]  }
0x2d: {  	s3 =	simm.s32 $0x108;
	s8 =	sld [smem:$0x3FB4]  }
0x2e: {  	s3 =	simm.s32 @!p0 $0x1082;
	s9 =	sld [smem:$0x3FB5]  }
0x2f: {  	lr =	sadd.s32 s0, s3;
	s0 =	sld [smem:$0x3FAC]  }
0x30: {  	s3 =	sld [smem:$0x3FAF]  }
0x31: {  	[smem:$0x3FB8] =	sst s10  }
0x32: {  	s10 =	sld [smem:$0x3FB6];
	_ =	sdelay $0x3  }
0x33: {  	p0 =	seq.s32 s10, $0x1;
	s10 =	sld [smem:$0x3FB8];
	_ =	sdelay $0x3  }
0x34: {  	[smem:$0x3FB8] =	sst s10  }
0x35: {  	s10 =	sld [smem:$0x3FB7];
	_ =	sdelay $0x3  }
0x36: {  	p1 =	seq.s32 s10, $0x1;
	s10 =	sld [smem:$0x3FB8];
	_ =	sdelay $0x3  }
0x37: {  	[smem:$0x3FB8] =	sst s10  }
0x38: {  	s10 =	sld [smem:$0x3FB9]  }
0x39: {  	_ = 	snop;
	(pc) =	sbr.ind lr, $3  }
0x3a: {  	_ = 	snop  }
0x3b: {  	_ = 	snop  }
0x3c: {  	p2 =	seq.s32 s10, $0x1;
	s10 =	sld [smem:$0x3FB8]  }
0x3d: {  	_ =	shalt  }
0x3e: {  	_ =	shalt  }
0x3f: {  	_ =	shalt  }
0x40: {  	_ =	shalt  }
0x41: {  	_ =	shalt  }
0x42: {  	_ =	shalt  }
0x43: {  	_ =	shalt  }
0x44: {  	_ =	shalt  }
0x45: {  	_ =	shalt  }
0x46: {  	_ =	shalt  }
0x47: {  	_ =	shalt  }
0x48: {  	_ =	shalt  }
0x49: {  	_ =	shalt  }
0x4a: {  	_ =	shalt  }
0x4b: {  	_ =	shalt  }
0x4c: {  	_ =	shalt  }
0x4d: {  	_ =	shalt  }
0x4e: {  	_ =	shalt  }
0x4f: {  	_ =	shalt  }
0x50: {  	_ =	shalt  }
0x51: {  	_ =	shalt  }
0x52: {  	_ =	shalt  }
0x53: {  	_ =	shalt  }
0x54: {  	_ =	shalt  }
0x55: {  	_ =	shalt  }
0x56: {  	_ =	shalt  }
0x57: {  	_ =	shalt  }
0x58: {  	_ =	shalt  }
0x59: {  	_ =	shalt  }
0x5a: {  	_ =	shalt  }
0x5b: {  	_ =	shalt  }
0x5c: {  	_ =	shalt  }
0x5d: {  	_ =	shalt  }
0x5e: {  	_ =	shalt  }
0x5f: {  	_ =	shalt  }
0x60: {  	_ =	shalt  }
0x61: {  	_ =	shalt  }
0x62: {  	_ =	shalt  }
0x63: {  	_ =	shalt  }
0x64: {  	_ =	shalt  }
0x65: {  	_ =	shalt  }
0x66: {  	_ =	shalt  }
0x67: {  	_ =	shalt  }
0x68: {  	_ =	shalt  }
0x69: {  	_ =	shalt  }
0x6a: {  	_ =	shalt  }
0x6b: {  	_ =	shalt  }
0x6c: {  	_ =	shalt  }
0x6d: {  	_ =	shalt  }
0x6e: {  	_ =	shalt  }
0x6f: {  	_ =	shalt  }
0x70: {  	_ =	shalt  }
0x71: {  	_ =	shalt  }
0x72: {  	_ =	shalt  }
0x73: {  	_ =	shalt  }
0x74: {  	_ =	shalt  }
0x75: {  	_ =	shalt  }
0x76: {  	_ =	shalt  }
0x77: {  	_ =	shalt  }
0x78: {  	_ =	shalt  }
0x79: {  	_ =	shalt  }
0x7a: {  	_ =	shalt  }
0x7b: {  	_ =	shalt  }
0x7c: {  	_ =	shalt  }
0x7d: {  	_ =	shalt  }
0x7e: {  	_ =	shalt  }
0x7f: {  	_ =	shalt  }
0x80: {  	_ =	shalt  }
0x81: {  	_ =	shalt  }
0x82: {  	_ =	shalt  }
0x83: {  	_ =	shalt  }
0x84: {  	_ =	shalt  }
0x85: {  	_ =	shalt  }
0x86: {  	_ =	shalt  }
0x87: {  	_ =	shalt  }
.Lfunc_end0:
.L_simem_size_0:
called_computation_lowered:
.L_overlay_start_0:
0x88: {  	s2 =	sld [smem:$0x3FD9]  }
0x89: {  	s3 =	sld [smem:$0x3FFE];
	_ =	sdelay $0x1  }
0x8a: {  	s1 =	srdreg.scid  }
0x8b: {  	s0 =	sand.u32 $0x1, s1  }
0x8c: {  	s17 =	sshll.u32 s0, $0xA;
	s2 =	sadd.s32 s3, s2  }
0x8d: {  	s2 =	sadd.s32 s2, s17  }
0x8e: {  	[smem:$0x3FC4] =	sst s2  }
0x8f: {  	_ = 	snop  }
0x90: {  	s2 =	sld [smem:$0x3FD0];
	(tm) =	ssettm $0x1  }
0x91: {  	s18 =	sld [smem:$0x3FFB];
	_ =	sdelay $0x3  }
0x92: {  	_ =	strace s18  }
0x93: {  	s3 =	sld [smem:$0x3FFC];
	_ =	sdelay $0x3  }
0x94: {  	_ =	strace s3  }
0x95: {  	s3 =	sld [smem:$0x3FFD];
	_ =	sdelay $0x3  }
0x96: {  	_ =	strace s3  }
0x97: {  	_ =	strace $0x8FFFFFFF  }
0x98: {  	s19 =	sld [smem:$0x3FDB];
	_ =	sdelay $0x1  }
0x99: {  	s4 =	simm.s32 $_scs_section_size  }
0x9a: {  	s5 =	simm.s32 $_size__tile_overlayer_lowered;
	s6 =	simm.s32 $_tile_overlayer_lowered  }
0x9b: {  	s22 =	simm.s32 $0x1BFF;
	s21 =	sshll.u32 s6, $0x1;
	s3 =	sadd.s32 s4, s19  }
0x9c: {  	s7 =	simm.s32 $0x0;
	s20 =	sshll.u32 s5, $0x1;
	s5 =	sadd.s32 s21, s3  }
0x9d: {  	[timem:s7], [sflag:s22] =	dma.local [hbm:s5], s20  }
0x9e: {  	_ =	swait.ge [sflag:s22], s20  }
0x9f: {  	s4 =	ssub.s32 $0x0, s20;
	[sflag:s22] =	ssyncset.done $0x0  }
0xa0: {  	[sflag:s22] =	ssyncadd.s32 s4;
	_ =	sdelay $0x1  }
0xa1: {  	s23 =	simm.s32 $0x1B8B  }
0xa2: {  	_ =	swait.ge [sflag:s23], $0x1  }
0xa3: {  	[sflag:s23] =	ssyncset.done $0x0  }
0xa4: {  	s25 =	simm.s32 $0x1B8E;
	s24 =	sld [smem:$0x3FFE];
	[sflag:s23] =	ssyncadd.s32 $0xFFFFFFFF  }
0xa5: {  	s26 =	simm.s32 $execute0_lowered;
	[smem:$0x3FD2] =	sst s25  }
0xa6: {  	s5 =	sshll.u32 s26, $0x1;
	_ =	strace $0x80000046;
	[dreg:$0x1] =	wrdreg $0xFFFFFFFF  }
0xa7: {  	s28 =	simm.s32 $_size_execute0_lowered;
	s3 =	sadd.s32 s3, s5;
	[dreg:$0x0] =	wrdreg $0x0  }
0xa8: {  	s5 =	sshll.u32 s28, $0x1;
	[dreg:$0x2] =	wrdreg s3  }
0xa9: {  	[dreg:$0x3] =	wrdreg s5  }
0xaa: {  	[dreg:$0x4] =	wrdreg $0xC0  }
0xab: {  	_ =	task [dreg:s7], $0x5FFFF  }
0xac: {  	[dreg:$0x1] =	wrdreg $0xFFFFFFFF  }
0xad: {  	[dreg:$0x0] =	wrdreg $0x60  }
0xae: {  	[dreg:$0x2] =	wrdreg s24  }
0xaf: {  	[dreg:$0x3] =	wrdreg s2  }
0xb0: {  	[dreg:$0x4] =	wrdreg $0x55000  }
0xb1: {  	[dreg:$0x5] =	wrdreg $0x9  }
0xb2: {  	_ =	task.clear_ibuf [dreg:s7], $0x6FFFF;
	_ =	strace $0x90000046  }
0xb3: {  	s29 =	simm.s32 $0x9;
	_ =	strace $0x80000048  }
0xb4: {  	_ =	swait.ge [sflag:s29], $0x1  }
0xb5: {  	[sflag:s29] =	ssyncadd.s32 $0xFFFFFFFF  }
0xb6: {  	_ =	strace $0x90000048  }
0xb7: {  	_ =	sfence  }
0xb8: {  	s30 =	sld [smem:$0x0];
	_ =	sdelay $0x2  }
0xb9: {  	s31 =	sshll.u32 s1, $0xD;
	s1 =	sshrl.u32 s1, $0x2  }
0xba: {  	s3 =	sand.u32 $0x4000, s31;
	s1 =	sadd.s32 s1, s30  }
0xbb: {  	s0 =	sor.u32 s3, s0;
	s1 =	sshll.u32 s1, $0x11  }
0xbc: {  	s0 =	sor.u32 s1, s0  }
0xbd: {  	s0 =	sadd.s32 $0x8F2B, s0  }
0xbe: {  	[sflag:s0] =	ssyncadd.remote.s32 $0x1  }
0xbf: {  	_ =	sfence.sel $0xFFFF  }
0xc0: {  	[dreg:$0x0] =	wrdreg $0xFFFFFFFF;
	(pc) =	sbr.abs _section_cstart, $3  }
0xc1: {  	[dreg:$0x1] =	wrdreg $0xFFFFFFFF  }
0xc2: {  	_ =	task.clear_ibuf [dreg:s7], $0x2FFFF;
	_ =	strace $0x9FFFFFFF  }
0xc3: {  	(tm) =	ssettm $0x7FFFFFFF  }
tec
execute0_lowered:
.L_overlay_start_1:
0x0: {  	(tag) =	ssettag $0x1  }
0x1: {  	s3 =	rddreg [dreg:$0x0]  }
0x2: {  	s6 =	rddreg [dreg:$0x1];
	s1 =	srdreg.scid  }
0x3: {  	s0 =	stileid.u32;
	s5 =	rddreg [dreg:$0x2];
	s2 =	simm.s32 $0x0  }
0x4: {  	s12 =	simm.s32 $0x5000;
	s13 =	simm.s32 $0x5280;
	s14 =	simm.s32 $0x100  }
0x5: {  	s15 =	simm.s32 $0x0;
	s4 =	sand.u32 $0x1, s1;
	s1 =	rddreg [dreg:$0x3]  }
0x6: {  	s7 =	sshll.u32 s0, $0x1;
	[smem:$0x7FF] =	sst s2;
	s28 =	smul.u32 $0x500, s0  }
0x7: {  	s9 =	sshrl.u32 s0, $0x3;
	s10 =	sshll.u32 s0, $0x7;
	s11 =	smul.u32 $0x5000, s0  }
0x8: {  	s7 =	sor.u32 s4, s7;
	_ =	strace $0x80000047;
	s8 =	ssub.s32 $0x2, s4  }
0x9: {  	s9 =	smul.u32 $0x50000, s9;
	s4 =	sshll.u32 s4, $0x7;
	s10 =	sand.u32 $0x380, s10  }
0xa: {  	s7 =	smul.u32 $0x500, s7;
	s26 =	sshrl.u32 s8, $0x1;
	s4 =	sor.u32 s4, s28  }
0xb: {  	s30 =	sshrl.u32 s11, $0x2;
	s11 =	simm.s32 $0x400;
	s9 =	sshrl.u32 s9, $0x2  }
0xc: {  	s31 =	sshrl.u32 s4, $0x3;
	s3 =	sadd.s32 s7, s3;
	s7 =	ssub.s32 s8, s26  }
0xd: {  	s29 =	sadd.s32 s9, s5;
	s5 =	sadd.s32 s30, s5;
	s6 =	sadd.s32 s6, s31  }
0xe: {  	s8 =	simm.s32 $0x1;
	s9 =	simm.s32 $0x2800;
	s3 =	sadd.s32 $0x1200, s3  }
0xf: {  	v0 =	vimm.f32 $0.0e+00;
	v1 =	vimm.f32 $1.000000000e+00;
	s4 =	sadd.s32 s10, s29;
	s7 =	smax.u32 s7, $0x1;
	s10 =	simm.s32 $0x80  }
.LBB2_1:
0x10: {  	s16 =	simm.s32 $0x40;
	s17 =	simm.s32 $0x0  }
.LBB2_2:
0x11: {  	p0 =	sne.s32 s16, $0x9FC0;
	[tilespmem:s17+$0x2800] =	vst v0;
	s17 =	smov.u32 s16;
	s16 =	sadd.s32 $0x40, s16  }
.Ltmp0:
0x12: {  	(pc) =	sbr.rel @p0 .LBB2_2-.Ltmp0, $2  }
0x13: {  	_ =	sdelay $0x2  }
0x14: {  	s17 =	sshra.s32 s17, $0x2  }
0x15: {  	[tilespmem:s17+$0x2800] =	vst v0  }
0x16: {  	[tilespmem:s2], [sflag:$0x1] =	stream.linear.gather [hbm4b:s3+s2], $0x2800, $0x38;
	[tilespmem:$0x7D00] =	vst v63  }
0x17: {  	_ =	swait.ge [sflag:s8], $0x2800  }
0x18: {  	[sflag:s8] =	ssyncset.done $0x0  }
0x19: {  	s16 =	simm.s32 $0x1C0;
	[sflag:s8] =	ssyncadd.s32 $0xFFFFD800  }
.LBB2_4:
0x1a: {  	s17 =	sshra.s32 s16, $0x2  }
0x1b: {  	v2 =	vld [tilespmem:s17+$0xFFFFFF90];
	_ =	sdelay $0x7  }
0x1c: {  	[tilespmem:v2+s9+$0x0] =	vst.idx.add.f32.msk $0xffff, v1  }
0x1d: {  	v2 =	vld [tilespmem:s17+$0xFFFFFFA0];
	_ =	sdelay $0x7  }
0x1e: {  	[tilespmem:v2+s9+$0x0] =	vst.idx.add.f32.msk $0xffff, v1  }
0x1f: {  	v2 =	vld [tilespmem:s17+$0xFFFFFFB0];
	_ =	sdelay $0x7  }
0x20: {  	[tilespmem:v2+s9+$0x0] =	vst.idx.add.f32.msk $0xffff, v1  }
0x21: {  	v2 =	vld [tilespmem:s17+$0xFFFFFFC0];
	_ =	sdelay $0x7  }
0x22: {  	[tilespmem:v2+s9+$0x0] =	vst.idx.add.f32.msk $0xffff, v1  }
0x23: {  	v2 =	vld [tilespmem:s17+$0xFFFFFFD0];
	_ =	sdelay $0x7  }
0x24: {  	[tilespmem:v2+s9+$0x0] =	vst.idx.add.f32.msk $0xffff, v1  }
0x25: {  	v2 =	vld [tilespmem:s17+$0xFFFFFFE0];
	_ =	sdelay $0x7  }
0x26: {  	[tilespmem:v2+s9+$0x0] =	vst.idx.add.f32.msk $0xffff, v1  }
0x27: {  	v2 =	vld [tilespmem:s17+$0xFFFFFFF0];
	_ =	sdelay $0x7  }
0x28: {  	[tilespmem:v2+s9+$0x0] =	vst.idx.add.f32.msk $0xffff, v1  }
0x29: {  	v2 =	vld [tilespmem:s17+$0x0];
	_ =	sdelay $0x2  }
0x2a: {  	p0 =	sne.s32 s16, $0x9FC0  }
.Ltmp1:
0x2b: {  	_ = 	snop;
	(pc) =	sbr.rel @p0 .LBB2_4-.Ltmp1, $2  }
0x2c: {  	_ =	sdelay $0x2  }
0x2d: {  	s16 =	sadd.s32 $0x200, s16;
	[tilespmem:v2+s9+$0x0] =	vst.idx.add.f32.msk $0xffff, v1  }
0x2e: {  	[spmem:s4] =	stream.strided.scatter [tilespmem:s9], [sflag:$0x1], $0x2800, s11, s10, $0x38;
	[tilespmem:$0x7D00] =	vst v63  }
0x2f: {  	_ =	swait.ge [sflag:s8], $0x2800  }
0x30: {  	[sflag:s8] =	ssyncset.done $0x0  }
0x31: {  	[sflag:s8] =	ssyncadd.s32 $0xFFFFD800  }
0x32: {  	[bflag:$0x0] =	sbarrier.arrive $0xFFFF  }
0x33: {  	[tilespmem:s12], [sflag:$0x1] =	stream.strided.gather [spmem:s5], $0x280, s11, s10, $0x38;
	[tilespmem:$0x7D00] =	vst v63  }
0x34: {  	_ =	swait.ge [sflag:s8], $0x280  }
0x35: {  	[sflag:s8] =	ssyncset.done $0x0  }
0x36: {  	s16 =	simm.s32 $0x0;
	[sflag:s8] =	ssyncadd.s32 $0xFFFFFD80  }
.LBB2_7:
0x37: {  	s16 =	sadd.s32 $0x1, s16  }
0x38: {  	s17 =	sshrl.u32 s16, $0x3  }
0x39: {  	s17 =	smul.u32 $0x50000, s17;
	_ =	sdelay $0x1  }
0x3a: {  	s18 =	sshll.u32 s16, $0x7;
	s17 =	sshra.s32 s17, $0x2  }
0x3b: {  	s18 =	sand.u32 $0x380, s18;
	s17 =	sadd.s32 s17, s5  }
0x3c: {  	s17 =	sadd.s32 s18, s17  }
0x3d: {  	[tilespmem:s13], [sflag:$0x1] =	stream.strided.gather [spmem:s17], $0x280, s11, s10, $0x38;
	[tilespmem:$0x7D00] =	vst v63  }
0x3e: {  	_ =	swait.ge [sflag:s8], $0x280  }
0x3f: {  	[sflag:s8] =	ssyncset.done $0x0  }
0x40: {  	s17 =	simm.s32 $0x0;
	[sflag:s8] =	ssyncadd.s32 $0xFFFFFD80  }
0x41: {  	s18 =	simm.s32 $0x40;
	v2 =	vld [tilespmem:s17+$0x5280]  }
.LBB2_8:
0x42: {  	p0 =	seq.s32 s18, $0x9C0;
	v3 =	vld [tilespmem:s17+$0x5000];
	_ =	sdelay $0x2  }
.Ltmp2:
0x43: {  	(pc) =	sbr.rel @!p0 .LBB2_8-.Ltmp2, $4  }
0x44: {  	_ = 	snop  }
0x45: {  	v3 =	vadd.f32 v2, v3  }
0x46: {  	s19 =	sshra.s32 s18, $0x2  }
0x47: {  	s18 =	sadd.s32 $0x40, s18;
	v2 =	vld [tilespmem:s19+$0x5280];
	[tilespmem:s17+$0x5000] =	vst v3;
	s17 =	smov.u32 s19  }
0x48: {  	v3 =	vld [tilespmem:s17+$0x5000];
	_ =	sdelay $0x4  }
0x49: {  	v2 =	vadd.f32 v2, v3;
	_ =	sdelay $0x1  }
0x4a: {  	[tilespmem:s17+$0x5000] =	vst v2  }
0x4b: {  	p0 =	seq.s32 s16, $0xF  }
.Ltmp3:
0x4c: {  	_ = 	snop;
	(pc) =	sbr.rel @!p0 .LBB2_7-.Ltmp3, $1  }
0x4d: {  	_ =	sdelay $0x3  }
0x4e: {  	s15 =	sadd.s32 $0x1, s15  }
0x4f: {  	p0 =	sne.s32 s15, s7  }
.Ltmp4:
0x50: {  	_ = 	snop;
	(pc) =	sbr.rel @p0 .LBB2_1-.Ltmp4, $4  }
0x51: {  	[hbm4b:s6+s10] =	stream.strided.scatter [tilespmem:s12], [sflag:$0x1], $0x280, s14, s10, $0x38;
	[tilespmem:$0x7D00] =	vst v63  }
0x52: {  	_ =	swait.ge [sflag:s8], $0x280  }
0x53: {  	[sflag:s8] =	ssyncset.done $0x0  }
0x54: {  	[sflag:s8] =	ssyncadd.s32 $0xFFFFFD80  }
0x55: {  	_ =	sfence.sel $0x180000  }
0x56: {  	[bflag:$0x0] =	sbarrier.arrive $0xFFFF  }
0x57: {  	p0 =	sne.s32 s0, $0x0;
	_ =	strace $0x90000047  }
0x58: {  	s0 =	sadd.s32 @!p0 $0x100000, s1;
	[bflag:$0x2] =	sbarrier.arrive $0xFFFF  }
0x59: {  	[sflag:s0] =	ssyncadd.tile.s32 @!p0 $0x1;
	_ =	shalt  }
.Lfunc_end2:
_tile_overlayer_lowered:
.L_overlay_start_2:
0x5a: {  	(tag) =	ssettag $0x2  }
0x5b: {  	s0 =	rddreg [dreg:$0x0];
	s2 =	stileid.u32  }
0x5c: {  	s1 =	rddreg [dreg:$0x1];
	p0 =	sne.s32 s2, $0x0  }
0x5d: {  	s3 =	rddreg [dreg:$0x2];
	[bflag:$0x3] =	sbarrier.arrive $0xFFFF;
	s2 =	simm.s32 @!p0 $0x1C01  }
0x5e: {  	[timem:s3], [sflag:s2] =	dma.local @!p0 [hbm:s0], s1  }
0x5f: {  	s0 =	simm.s32 @!p0 $0x1  }
0x60: {  	_ =	swait.ge @!p0 [sflag:s0], s1  }
0x61: {  	s1 =	ssub.s32 @!p0 $0x0, s1;
	[sflag:s0] =	ssyncset.done @!p0 $0x0  }
0x62: {  	[sflag:s0] =	ssyncadd.s32 @!p0 s1  }
0x63: {  	[bflag:$0x3] =	sbarrier.arrive $0xFFFF  }
0x64: {  	_ =	shalt  }

// kernel: kernel.9.cloned.1.call-start
scs
__scs_entry_jumppad:
0x0: {  	(pc) =	sbr.rel $0x88, $3  }
0x1: {  	(tag) =	ssettag $0x0;
	lr =	simm.s32 $0x1  }
0x2: {  	[smem:$0x3F9D] =	sst lr;
	_ =	strace $0xD0000000  }
0x3: {  	_ = 	snop  }
0x4: {  	_ = 	snop  }
0x5: {  	_ = 	snop  }
0x6: {  	_ = 	snop  }
0x7: {  	_ = 	snop  }
__scs_overlays_trampoline_lowered:
0x8: {  	[smem:$0x3FAC] =	sst s0  }
0x9: {  	[smem:$0x3FAD] =	sst s1  }
0xa: {  	[smem:$0x3FAE] =	sst s2  }
0xb: {  	[smem:$0x3FAF] =	sst s3  }
0xc: {  	[smem:$0x3FB0] =	sst s4  }
0xd: {  	[smem:$0x3FB1] =	sst s5  }
0xe: {  	[smem:$0x3FB2] =	sst s6  }
0xf: {  	[smem:$0x3FB3] =	sst s7  }
0x10: {  	[smem:$0x3FB4] =	sst s8  }
0x11: {  	[smem:$0x3FB5] =	sst s9;
	s0 =	simm.s32 @!p0 $0x0  }
0x12: {  	s1 =	sld [smem:$0x3F9B];
	s0 =	simm.s32 @p0 $0x1  }
0x13: {  	[smem:$0x3FB6] =	sst s0;
	s0 =	simm.s32 @!p1 $0x0  }
0x14: {  	s2 =	sld [smem:$0x3F9A];
	s0 =	simm.s32 @p1 $0x1  }
0x15: {  	[smem:$0x3FB7] =	sst s0;
	s0 =	simm.s32 @!p2 $0x0  }
0x16: {  	s3 =	sld [smem:$0x3FDB];
	s0 =	simm.s32 @p2 $0x1  }
0x17: {  	s4 =	simm.s32 $0x1BF5;
	[smem:$0x3FB9] =	sst s0  }
0x18: {  	s0 =	sld [smem:$0x3F9C];
	_ =	swait.ge [sflag:s4], $0x0  }
0x19: {  	s7 =	sld [smem:$0x3F9D]  }
0x1a: {  	s8 =	sadd.s32 $0xFFFFE003, lr  }
0x1b: {  	s9 =	sadd.s32 $0xFFFFFEF7, lr;
	s5 =	simm.s32 $0xFFFFFFFF;
	p2 =	slt.u32 s8, $0xFFFFF086  }
0x1c: {  	p1 =	slt.u32 s9, $0xF7A;
	s5 =	simm.s32 @!p2 $0x0  }
0x1d: {  	s5 =	simm.s32 @p1 $0x1;
	p0 =	seq.s32 s7, s2  }
0x1e: {  	s7 =	smul.u32 @!p0 $0xF7A, s2;
	p2 =	seq.s32 @!p0 s5, $0x0  }
0x1f: {  	s9 =	smul.u32 $0xF7A, s1;
	s8 =	simm.s32 @!p0 $0x1BF5;
	p2 =	por !p2, p0  }
0x20: {  	[sflag:s8] =	ssyncset.s32 @!p0 $0xFFFFF086;
	s6 =	sadd.s32 @!p0 s3, s7;
	s7 =	simm.s32 @!p0 $0x108  }
0x21: {  	s3 =	sadd.s32 s3, s9;
	s6 =	sadd.s32 @!p0 $0x88, s6;
	s7 =	simm.s32 @p2 $0x1082  }
0x22: {  	[simem:s7], [sflag:s8] =	dma.local @!p0 [hbm:s6], $0xF7A  }
0x23: {  	s9 =	sor.u32 $0xD0000000, s2;
	s6 =	simm.s32 $0x108;
	_ =	swait.ge @!p0 [sflag:s8], $0x0  }
0x24: {  	s3 =	sadd.s32 $0x88, s3;
	s6 =	simm.s32 @!p1 $0x1082;
	[sflag:s4] =	ssyncset.s32 $0xFFFFF086  }
0x25: {  	[simem:s6], [sflag:s4] =	dma.local [hbm:s3], $0xF7A  }
0x26: {  	[smem:$0x3F9D] =	sst s1;
	(tag) =	ssettag s2;
	_ =	strace s9  }
0x27: {  	s1 =	sld [smem:$0x3FAD]  }
0x28: {  	s2 =	sld [smem:$0x3FAE]  }
0x29: {  	s4 =	sld [smem:$0x3FB0]  }
0x2a: {  	p0 =	seq.s32 s5, $0x0;
	s5 =	sld [smem:$0x3FB1]  }
0x2b: {  	s6 =	sld [smem:$0x3FB2]  }
0x2c: {  	s7 =	sld [smem:$0x3FB3]  }
0x2d: {  	s3 =	simm.s32 $0x108;
	s8 =	sld [smem:$0x3FB4]  }
0x2e: {  	s3 =	simm.s32 @!p0 $0x1082;
	s9 =	sld [smem:$0x3FB5]  }
0x2f: {  	lr =	sadd.s32 s0, s3;
	s0 =	sld [smem:$0x3FAC]  }
0x30: {  	s3 =	sld [smem:$0x3FAF]  }
0x31: {  	[smem:$0x3FB8] =	sst s10  }
0x32: {  	s10 =	sld [smem:$0x3FB6];
	_ =	sdelay $0x3  }
0x33: {  	p0 =	seq.s32 s10, $0x1;
	s10 =	sld [smem:$0x3FB8];
	_ =	sdelay $0x3  }
0x34: {  	[smem:$0x3FB8] =	sst s10  }
0x35: {  	s10 =	sld [smem:$0x3FB7];
	_ =	sdelay $0x3  }
0x36: {  	p1 =	seq.s32 s10, $0x1;
	s10 =	sld [smem:$0x3FB8];
	_ =	sdelay $0x3  }
0x37: {  	[smem:$0x3FB8] =	sst s10  }
0x38: {  	s10 =	sld [smem:$0x3FB9]  }
0x39: {  	_ = 	snop;
	(pc) =	sbr.ind lr, $3  }
0x3a: {  	_ = 	snop  }
0x3b: {  	_ = 	snop  }
0x3c: {  	p2 =	seq.s32 s10, $0x1;
	s10 =	sld [smem:$0x3FB8]  }
0x3d: {  	_ =	shalt  }
0x3e: {  	_ =	shalt  }
0x3f: {  	_ =	shalt  }
0x40: {  	_ =	shalt  }
0x41: {  	_ =	shalt  }
0x42: {  	_ =	shalt  }
0x43: {  	_ =	shalt  }
0x44: {  	_ =	shalt  }
0x45: {  	_ =	shalt  }
0x46: {  	_ =	shalt  }
0x47: {  	_ =	shalt  }
0x48: {  	_ =	shalt  }
0x49: {  	_ =	shalt  }
0x4a: {  	_ =	shalt  }
0x4b: {  	_ =	shalt  }
0x4c: {  	_ =	shalt  }
0x4d: {  	_ =	shalt  }
0x4e: {  	_ =	shalt  }
0x4f: {  	_ =	shalt  }
0x50: {  	_ =	shalt  }
0x51: {  	_ =	shalt  }
0x52: {  	_ =	shalt  }
0x53: {  	_ =	shalt  }
0x54: {  	_ =	shalt  }
0x55: {  	_ =	shalt  }
0x56: {  	_ =	shalt  }
0x57: {  	_ =	shalt  }
0x58: {  	_ =	shalt  }
0x59: {  	_ =	shalt  }
0x5a: {  	_ =	shalt  }
0x5b: {  	_ =	shalt  }
0x5c: {  	_ =	shalt  }
0x5d: {  	_ =	shalt  }
0x5e: {  	_ =	shalt  }
0x5f: {  	_ =	shalt  }
0x60: {  	_ =	shalt  }
0x61: {  	_ =	shalt  }
0x62: {  	_ =	shalt  }
0x63: {  	_ =	shalt  }
0x64: {  	_ =	shalt  }
0x65: {  	_ =	shalt  }
0x66: {  	_ =	shalt  }
0x67: {  	_ =	shalt  }
0x68: {  	_ =	shalt  }
0x69: {  	_ =	shalt  }
0x6a: {  	_ =	shalt  }
0x6b: {  	_ =	shalt  }
0x6c: {  	_ =	shalt  }
0x6d: {  	_ =	shalt  }
0x6e: {  	_ =	shalt  }
0x6f: {  	_ =	shalt  }
0x70: {  	_ =	shalt  }
0x71: {  	_ =	shalt  }
0x72: {  	_ =	shalt  }
0x73: {  	_ =	shalt  }
0x74: {  	_ =	shalt  }
0x75: {  	_ =	shalt  }
0x76: {  	_ =	shalt  }
0x77: {  	_ =	shalt  }
0x78: {  	_ =	shalt  }
0x79: {  	_ =	shalt  }
0x7a: {  	_ =	shalt  }
0x7b: {  	_ =	shalt  }
0x7c: {  	_ =	shalt  }
0x7d: {  	_ =	shalt  }
0x7e: {  	_ =	shalt  }
0x7f: {  	_ =	shalt  }
0x80: {  	_ =	shalt  }
0x81: {  	_ =	shalt  }
0x82: {  	_ =	shalt  }
0x83: {  	_ =	shalt  }
0x84: {  	_ =	shalt  }
0x85: {  	_ =	shalt  }
0x86: {  	_ =	shalt  }
0x87: {  	_ =	shalt  }
.Lfunc_end0:
.L_simem_size_0:
called_computation.1_lowered:
.L_overlay_start_0:
0x88: {  	s2 =	sld [smem:$0x3FD9]  }
0x89: {  	s3 =	sld [smem:$0x3FFE];
	_ =	sdelay $0x1  }
0x8a: {  	s1 =	srdreg.scid  }
0x8b: {  	s0 =	sand.u32 $0x1, s1  }
0x8c: {  	s17 =	sshll.u32 s0, $0xA;
	s2 =	sadd.s32 s3, s2  }
0x8d: {  	s2 =	sadd.s32 s2, s17  }
0x8e: {  	[smem:$0x3FC4] =	sst s2  }
0x8f: {  	_ = 	snop  }
0x90: {  	s2 =	sld [smem:$0x3FD0];
	(tm) =	ssettm $0x1  }
0x91: {  	s18 =	sld [smem:$0x3FFB];
	_ =	sdelay $0x3  }
0x92: {  	_ =	strace s18  }
0x93: {  	s3 =	sld [smem:$0x3FFC];
	_ =	sdelay $0x3  }
0x94: {  	_ =	strace s3  }
0x95: {  	s3 =	sld [smem:$0x3FFD];
	_ =	sdelay $0x3  }
0x96: {  	_ =	strace s3  }
0x97: {  	_ =	strace $0x8FFFFFFF  }
0x98: {  	s19 =	sld [smem:$0x3FDB];
	_ =	sdelay $0x1  }
0x99: {  	s4 =	simm.s32 $_scs_section_size  }
0x9a: {  	s5 =	simm.s32 $_size__tile_overlayer_lowered;
	s6 =	simm.s32 $_tile_overlayer_lowered  }
0x9b: {  	s22 =	simm.s32 $0x1BFF;
	s21 =	sshll.u32 s6, $0x1;
	s3 =	sadd.s32 s4, s19  }
0x9c: {  	s7 =	simm.s32 $0x0;
	s20 =	sshll.u32 s5, $0x1;
	s5 =	sadd.s32 s21, s3  }
0x9d: {  	[timem:s7], [sflag:s22] =	dma.local [hbm:s5], s20  }
0x9e: {  	_ =	swait.ge [sflag:s22], s20  }
0x9f: {  	s4 =	ssub.s32 $0x0, s20;
	[sflag:s22] =	ssyncset.done $0x0  }
0xa0: {  	[sflag:s22] =	ssyncadd.s32 s4;
	_ =	sdelay $0x1  }
0xa1: {  	s23 =	simm.s32 $0x1B8B  }
0xa2: {  	_ =	swait.ge [sflag:s23], $0x1  }
0xa3: {  	[sflag:s23] =	ssyncset.done $0x0  }
0xa4: {  	s25 =	simm.s32 $0x1B8E;
	s24 =	sld [smem:$0x3FFE];
	[sflag:s23] =	ssyncadd.s32 $0xFFFFFFFF  }
0xa5: {  	s26 =	simm.s32 $execute0_lowered;
	[smem:$0x3FD2] =	sst s25  }
0xa6: {  	s5 =	sshll.u32 s26, $0x1;
	_ =	strace $0x80000049;
	[dreg:$0x1] =	wrdreg $0xFFFFFFFF  }
0xa7: {  	s28 =	simm.s32 $_size_execute0_lowered;
	s3 =	sadd.s32 s3, s5;
	[dreg:$0x0] =	wrdreg $0x0  }
0xa8: {  	s5 =	sshll.u32 s28, $0x1;
	[dreg:$0x2] =	wrdreg s3  }
0xa9: {  	[dreg:$0x3] =	wrdreg s5  }
0xaa: {  	[dreg:$0x4] =	wrdreg $0xC0  }
0xab: {  	_ =	task [dreg:s7], $0x5FFFF  }
0xac: {  	[dreg:$0x1] =	wrdreg $0xFFFFFFFF  }
0xad: {  	[dreg:$0x0] =	wrdreg $0x60  }
0xae: {  	[dreg:$0x2] =	wrdreg s2  }
0xaf: {  	[dreg:$0x3] =	wrdreg s24  }
0xb0: {  	[dreg:$0x4] =	wrdreg $0x90000  }
0xb1: {  	[dreg:$0x5] =	wrdreg $0x9  }
0xb2: {  	_ =	task.clear_ibuf [dreg:s7], $0x6FFFF;
	_ =	strace $0x90000049  }
0xb3: {  	s29 =	simm.s32 $0x9;
	_ =	strace $0x8000004B  }
0xb4: {  	_ =	swait.ge [sflag:s29], $0x1  }
0xb5: {  	[sflag:s29] =	ssyncadd.s32 $0xFFFFFFFF  }
0xb6: {  	_ =	strace $0x9000004B  }
0xb7: {  	_ =	sfence  }
0xb8: {  	s30 =	sld [smem:$0x0];
	_ =	sdelay $0x2  }
0xb9: {  	s31 =	sshll.u32 s1, $0xD;
	s1 =	sshrl.u32 s1, $0x2  }
0xba: {  	s3 =	sand.u32 $0x4000, s31;
	s1 =	sadd.s32 s1, s30  }
0xbb: {  	s0 =	sor.u32 s3, s0;
	s1 =	sshll.u32 s1, $0x11  }
0xbc: {  	s0 =	sor.u32 s1, s0  }
0xbd: {  	s0 =	sadd.s32 $0x8F2B, s0  }
0xbe: {  	[sflag:s0] =	ssyncadd.remote.s32 $0x1  }
0xbf: {  	_ =	sfence.sel $0xFFFF  }
0xc0: {  	[dreg:$0x0] =	wrdreg $0xFFFFFFFF;
	(pc) =	sbr.abs _section_cstart, $3  }
0xc1: {  	[dreg:$0x1] =	wrdreg $0xFFFFFFFF  }
0xc2: {  	_ =	task.clear_ibuf [dreg:s7], $0x2FFFF;
	_ =	strace $0x9FFFFFFF  }
0xc3: {  	(tm) =	ssettm $0x7FFFFFFF  }
tec
execute0_lowered:
.L_overlay_start_1:
0x0: {  	(tag) =	ssettag $0x1  }
0x1: {  	s2 =	srdreg.scid;
	s1 =	rddreg [dreg:$0x0]  }
0x2: {  	s0 =	stileid.u32;
	s6 =	rddreg [dreg:$0x1]  }
0x3: {  	s3 =	rddreg [dreg:$0x2];
	s4 =	simm.s32 $0x0;
	s14 =	simm.s32 $0x80  }
0x4: {  	s15 =	simm.s32 $0x5000;
	s16 =	simm.s32 $0x0;
	s8 =	smul.u32 $0x14000, s0  }
0x5: {  	s5 =	sand.u32 $0x1, s2;
	s25 =	sshll.u32 s0, $0x1;
	s28 =	smul.u32 $0x50000, s0  }
0x6: {  	[smem:$0x7FF] =	sst s4;
	s2 =	sor.u32 s5, s25;
	s9 =	smul.u32 $0x140000, s5  }
0x7: {  	s31 =	sshll.u32 s0, $0x6;
	s5 =	ssub.s32 $0x2, s5;
	s7 =	smul.u32 $0x500, s2  }
0x8: {  	s2 =	rddreg [dreg:$0x3];
	_ =	strace $0x8000004A;
	s26 =	sshrl.u32 s8, $0x3  }
0x9: {  	s29 =	sshrl.u32 s5, $0x1;
	s30 =	sshrl.u32 s28, $0x2;
	s8 =	sadd.s32 s8, s9  }
0xa: {  	s12 =	ssub.s32 s5, s29;
	s13 =	sadd.s32 s30, s3;
	s8 =	sshrl.u32 s8, $0x3  }
0xb: {  	s10 =	sadd.s32 s7, s6;
	s7 =	sadd.s32 s26, s6;
	s11 =	sadd.s32 s8, s6  }
0xc: {  	s5 =	sadd.s32 $0x15200, s7;
	s6 =	sor.u32 $0x1C01, s31;
	s7 =	sadd.s32 $0xB200, s10  }
0xd: {  	s8 =	sadd.s32 $0x1200, s10;
	s10 =	smax.u32 s12, $0x1;
	s12 =	simm.s32 $0x1  }
0xe: {  	s9 =	sadd.s32 $0x3D200, s11;
	s11 =	sshrl.u32 s13, $0x3;
	s13 =	simm.s32 $0x2800  }
.LBB2_1:
0xf: {  	[spmem:s11], [sflag:s6] =	dma.local [hbm:s5], $0x2800  }
0x10: {  	_ =	swait.ge [sflag:s12], $0x2800  }
0x11: {  	[sflag:s12] =	ssyncset.done $0x0  }
0x12: {  	[sflag:s12] =	ssyncadd.s32 $0xFFFFD800  }
0x13: {  	[tilespmem:s4], [sflag:$0x1] =	stream.linear.gather [hbm4b:s7+s4], $0x2800, $0x38;
	[tilespmem:$0x1D000] =	vst v63  }
0x14: {  	_ =	swait.ge [sflag:s12], $0x2800  }
0x15: {  	[sflag:s12] =	ssyncset.done $0x0  }
0x16: {  	[sflag:s12] =	ssyncadd.s32 $0xFFFFD800  }
0x17: {  	[tilespmem:s13], [sflag:$0x1] =	stream.linear.gather [hbm4b:s8+s4], $0x2800, $0x38;
	[tilespmem:$0x1D000] =	vst v63  }
0x18: {  	_ =	swait.ge [sflag:s12], $0x2800  }
0x19: {  	[sflag:s12] =	ssyncset.done $0x0  }
0x1a: {  	[sflag:s12] =	ssyncadd.s32 $0xFFFFD800  }
0x1b: {  	s17 =	simm.s32 $0x0;
	[bflag:$0x0] =	sbarrier.arrive $0xFFFF  }
0x1c: {  	[tilespmem:s15], [sflag:$0x1] =	stream.indirect.gather [hbm4b:s1+s14], $0x80, s17, s14, $0xb8;
	[tilespmem:$0x1D000] =	vst v63  }
0x1d: {  	_ =	swait.ge [sflag:s12], $0x4000  }
0x1e: {  	[sflag:s12] =	ssyncset.done $0x0  }
0x1f: {  	s31 =	simm.s32 $0x2800;
	[sflag:s12] =	ssyncadd.s32 $0xFFFFC000  }
0x20: {  	[spmem:s3] =	stream.indirect.scatter.add.f32 [tilespmem:s15], [sflag:$0x1], $0x80, s31, s14, $0xb8;
	[tilespmem:$0x1D000] =	vst v63  }
0x21: {  	_ =	swait.ge [sflag:s12], $0x4000  }
0x22: {  	s18 =	simm.s32 $0x400;
	s17 =	simm.s32 $0x200;
	[sflag:s12] =	ssyncset.done $0x0  }
.LBB2_2:
0x23: {  	s19 =	sshra.s32 s17, $0x2  }
0x24: {  	[sflag:s12] =	ssyncadd.s32 $0xFFFFC000;
	s17 =	smov.u32 s18;
	s20 =	sadd.s32 $0x200, s18  }
0x25: {  	[tilespmem:s15], [sflag:$0x1] =	stream.indirect.gather [hbm4b:s1+s14], $0x80, s19, s14, $0xb8;
	[tilespmem:$0x1D000] =	vst v63  }
0x26: {  	p0 =	sne.s32 s18, $0x9E00;
	_ =	swait.ge [sflag:s12], $0x4000  }
.Ltmp0:
0x27: {  	[sflag:s12] =	ssyncset.done $0x0;
	(pc) =	sbr.rel @p0 .LBB2_2-.Ltmp0, $4  }
0x28: {  	s18 =	sadd.s32 $0x2800, s19;
	[sflag:s12] =	ssyncadd.s32 $0xFFFFC000  }
0x29: {  	[spmem:s3] =	stream.indirect.scatter.add.f32 [tilespmem:s15], [sflag:$0x1], $0x80, s18, s14, $0xb8;
	[tilespmem:$0x1D000] =	vst v63  }
0x2a: {  	_ =	swait.ge [sflag:s12], $0x4000  }
0x2b: {  	s18 =	smov.u32 s20;
	[sflag:s12] =	ssyncset.done $0x0  }
0x2c: {  	s17 =	sshra.s32 s17, $0x2;
	[sflag:s12] =	ssyncadd.s32 $0xFFFFC000  }
0x2d: {  	[tilespmem:s15], [sflag:$0x1] =	stream.indirect.gather [hbm4b:s1+s14], $0x80, s17, s14, $0xb8;
	[tilespmem:$0x1D000] =	vst v63  }
0x2e: {  	_ =	swait.ge [sflag:s12], $0x4000  }
0x2f: {  	[sflag:s12] =	ssyncset.done $0x0  }
0x30: {  	s17 =	sadd.s32 $0x2800, s17;
	[sflag:s12] =	ssyncadd.s32 $0xFFFFC000  }
0x31: {  	[spmem:s3] =	stream.indirect.scatter.add.f32 [tilespmem:s15], [sflag:$0x1], $0x80, s17, s14, $0xb8;
	[tilespmem:$0x1D000] =	vst v63  }
0x32: {  	_ =	swait.ge [sflag:s12], $0x4000  }
0x33: {  	s16 =	sadd.s32 $0x1, s16;
	[sflag:s12] =	ssyncset.done $0x0  }
0x34: {  	p0 =	sne.s32 s16, s10;
	[sflag:s12] =	ssyncadd.s32 $0xFFFFC000  }
.Ltmp1:
0x35: {  	[bflag:$0x0] =	sbarrier.arrive $0xFFFF;
	(pc) =	sbr.rel @p0 .LBB2_1-.Ltmp1, $4  }
0x36: {  	[hbm:s9], [sflag:s6] =	dma.local [spmem:s11], $0x2800  }
0x37: {  	_ =	swait.ge [sflag:s12], $0x2800  }
0x38: {  	[sflag:s12] =	ssyncset.done $0x0  }
0x39: {  	[sflag:s12] =	ssyncadd.s32 $0xFFFFD800  }
0x3a: {  	_ =	sfence.sel $0x180000  }
0x3b: {  	[bflag:$0x0] =	sbarrier.arrive $0xFFFF  }
0x3c: {  	p0 =	sne.s32 s0, $0x0;
	_ =	strace $0x9000004A  }
0x3d: {  	s0 =	sadd.s32 @!p0 $0x100000, s2;
	[bflag:$0x2] =	sbarrier.arrive $0xFFFF  }
0x3e: {  	[sflag:s0] =	ssyncadd.tile.s32 @!p0 $0x1;
	_ =	shalt  }
.Lfunc_end2:
_tile_overlayer_lowered:
.L_overlay_start_2:
0x3f: {  	(tag) =	ssettag $0x2  }
0x40: {  	s0 =	rddreg [dreg:$0x0];
	s2 =	stileid.u32  }
0x41: {  	s1 =	rddreg [dreg:$0x1];
	p0 =	sne.s32 s2, $0x0  }
0x42: {  	s3 =	rddreg [dreg:$0x2];
	[bflag:$0x3] =	sbarrier.arrive $0xFFFF;
	s2 =	simm.s32 @!p0 $0x1C01  }
0x43: {  	[timem:s3], [sflag:s2] =	dma.local @!p0 [hbm:s0], s1  }
0x44: {  	s0 =	simm.s32 @!p0 $0x1  }
0x45: {  	_ =	swait.ge @!p0 [sflag:s0], s1  }
0x46: {  	s1 =	ssub.s32 @!p0 $0x0, s1;
	[sflag:s0] =	ssyncset.done @!p0 $0x0  }
0x47: {  	[sflag:s0] =	ssyncadd.s32 @!p0 s1  }
0x48: {  	[bflag:$0x3] =	sbarrier.arrive $0xFFFF  }
0x49: {  	_ =	shalt  }

</sc_bundles>
